<compile_context>
chip_gen: v7x
topology: tpu7x:2x2x1
jax: 0.10.2.dev20260603
libtpu: 0.0.44.dev20260713+nightly
codegen_flags: <defaults>
</compile_context>

<pallas_src>
import functools

import jax
import jax.numpy as jnp
from jax import lax
from jax.experimental import pallas as pl
from jax.experimental.pallas import tpu as pltpu
from jax.experimental.pallas import tpu_sc as plsc

B = 8
N = 2048
NW = N // 4
QROWS = N // 4
K = 16
NCHUNK = QROWS // K
GPR = N // 64


def _sc_body(scores_hbm, masks_hbm, out_hbm, s_buf, m_buf, o_buf):
    cid = lax.axis_index("c")
    sid = lax.axis_index("s")
    wid = sid * 2 + cid
    b = wid // 4
    q = wid % 4

    zero_f = jnp.zeros((16,), jnp.float32)
    zero_i = jnp.zeros((16,), jnp.int32)

    def chunk(t, carry):
        sum_in, cnt_in = carry
        r0 = pl.multiple_of(q * QROWS + t * K, K)
        pltpu.sync_copy(scores_hbm.at[b, pl.ds(r0, K), :], s_buf)
        pltpu.sync_copy(masks_hbm.at[b, pl.ds(r0, K), :], m_buf)

        def group(g, carry2):
            sacc, cacc = carry2
            cb = pl.multiple_of(g * 64, 64)
            cw = pl.multiple_of(g * 16, 16)
            cnt8 = zero_i
            for j in range(K):
                m32 = m_buf[j, pl.ds(cw, 16)]
                cnt8 = cnt8 + m32
                for p in range(4):
                    sp = s_buf[j, pl.ds(cb + 16 * p, 16)]
                    msk = (m32 << (31 - 8 * p)) < 0
                    sacc = sacc + jnp.where(msk, sp, zero_f)
            cacc = (
                cacc
                + (cnt8 & 0xFF)
                + ((cnt8 >> 8) & 0xFF)
                + ((cnt8 >> 16) & 0xFF)
                + ((cnt8 >> 24) & 0xFF)
            )
            return (sacc, cacc)

        return lax.fori_loop(0, GPR, group, (sum_in, cnt_in))

    sum_acc, cnt_acc = lax.fori_loop(0, NCHUNK, chunk, (zero_f, zero_i))

    o_buf[pl.ds(0, 16)] = sum_acc
    o_buf[pl.ds(16, 16)] = cnt_acc.astype(jnp.float32)
    pltpu.sync_copy(o_buf, out_hbm.at[pl.ds(wid * 32, 32)])


def kernel(scores, assigns):
    m8 = assigns.view(jnp.int8)[:, :, :N]
    m8t = m8.reshape(B, N + 1, GPR, 4, 16).swapaxes(3, 4)
    masks32 = m8t.reshape(B, N + 1, N).view(jnp.int32)
    mesh = plsc.VectorSubcoreMesh(core_axis_name="c", subcore_axis_name="s")
    run = functools.partial(
        pl.kernel,
        out_type=jax.ShapeDtypeStruct((32 * 32,), jnp.float32),
        mesh=mesh,
        scratch_types=[
            pltpu.VMEM((K, N), jnp.float32),
            pltpu.VMEM((K, NW), jnp.int32),
            pltpu.VMEM((32,), jnp.float32),
        ],
    )(_sc_body)
    part = run(scores, masks32).reshape(32, 2, 16)
    sums = part[:, 0, :].sum(axis=1).reshape(B, 4).sum(axis=1)
    cnts = part[:, 1, :].sum(axis=1).reshape(B, 4).sum(axis=1)
    return -jnp.mean(sums / cnts)

# --- scband reference (transcript-rebuilt; emitter-appended) ---
"""Pipeline reference for scband-mean-criterion-22127671509020 (READ-ONLY COPY).

The authoritative reference and input builder live on the scoring server;
editing this copy changes nothing except your own understanding.
"""

import jax, jax.numpy as jnp
import numpy as np


def setup_inputs(seed: int = 0) -> dict:
    key = jax.random.key(seed)
    k1, k2 = jax.random.split(key)
    scores = jax.random.normal(k1, (8, 2048, 2048), dtype=jnp.float32)
    assigns = jax.random.randint(k2, (8, 2049, 2049), 0, 2).astype(jnp.bool_)
    return {"scores": scores, "assigns": assigns}


def reference(scores, assigns):
    # Faithful translation of MeanCriterion.forward:
    #   scores = -scores
    #   per batch b: pos_score = scores[b][assigns[b][:-1, :-1]]; losses += mean(pos_score)
    #   losses /= batch_dim
    # torch.mean over a boolean-masked selection == sum(score*mask)/sum(mask),
    # computed per batch element then averaged (vectorized over the python loop).
    neg = -scores
    mask = assigns[:, :-1, :-1].astype(neg.dtype)
    sums = jnp.sum(neg * mask, axis=(1, 2))
    counts = jnp.sum(mask, axis=(1, 2))
    per_batch = sums / counts
    loss = jnp.mean(per_batch)
    return loss

if __name__ == "__main__":
    import jax
    _d = setup_inputs()
    print(jax.jit(kernel)(*tuple(_d.values())))

</pallas_src>

<mosaic_0001>
#map = affine_map<(d0, d1) -> (0, 0, 0)>
#map1 = affine_map<(d0, d1) -> (0)>
module attributes {stable_mosaic.version = 14 : i64} {
  func.func @_sc_body(%arg0: i32, %arg1: i32, %arg2: memref<8x2048x2048xf32, #tpu.memory_space<hbm>>, %arg3: memref<8x2049x512xi32, #tpu.memory_space<hbm>>, %arg4: memref<1024xf32, #tpu.memory_space<hbm>>, %arg5: memref<16x2048xf32, #tpu.memory_space<vmem>>, %arg6: memref<16x512xi32, #tpu.memory_space<vmem>>, %arg7: memref<32xf32, #tpu.memory_space<vmem>>) attributes {dimension_semantics = [#tpu.dimension_semantics<core_parallel>, #tpu.dimension_semantics<subcore_parallel>], iteration_bounds = array<i64: 2, 16>, scalar_prefetch = 0 : i64, scratch_operands = 3 : i64, tpu.core_type = #tpu.core_type<sc_vector_subcore>, window_params = [{transform_indices = #map}, {transform_indices = #map}, {transform_indices = #map1}]} {
    %mul3A = arith.constant 2 : i32
    %mul3A_0 = arith.muli %arg1, %mul3A : i32
    %add3A = arith.addi %mul3A_0, %arg0 : i32
    %jit3A = arith.constant 4 : i32
    %div3A = arith.divsi %add3A, %jit3A : i32
    %sign3A = arith.constant 0 : i32
    %sign3A_1 = arith.cmpi sgt, %add3A, %sign3A : i32
    %sign3A_2 = arith.extui %sign3A_1 : i1 to i32
    %sign3A_3 = arith.constant 0 : i32
    %sign3A_4 = arith.cmpi slt, %add3A, %sign3A_3 : i32
    %sign3A_5 = arith.extui %sign3A_4 : i1 to i32
    %sign3A_6 = arith.subi %sign3A_2, %sign3A_5 : i32
    %sign3A_7 = arith.constant 0 : i32
    %sign3A_8 = arith.cmpi sgt, %jit3A, %sign3A_7 : i32
    %sign3A_9 = arith.extui %sign3A_8 : i1 to i32
    %sign3A_10 = arith.constant 0 : i32
    %sign3A_11 = arith.cmpi slt, %jit3A, %sign3A_10 : i32
    %sign3A_12 = arith.extui %sign3A_11 : i1 to i32
    %sign3A_13 = arith.subi %sign3A_9, %sign3A_12 : i32
    %ne3A = arith.cmpi ne, %sign3A_6, %sign3A_13 : i32
    %rem3A = arith.remsi %add3A, %jit3A : i32
    %ne3A_14 = arith.constant 0 : i32
    %ne3A_15 = arith.cmpi ne, %rem3A, %ne3A_14 : i32
    %and3A = arith.andi %ne3A, %ne3A_15 : i1
    %sub3A = arith.constant 1 : i32
    %sub3A_16 = arith.subi %div3A, %sub3A : i32
    %select_n3A = arith.select %and3A, %sub3A_16, %div3A : i32
    %jit3A_17 = arith.constant 4 : i32
    %eq3A = arith.constant 0 : i32
    %eq3A_18 = arith.cmpi eq, %jit3A_17, %eq3A : i32
    %jit3A_19 = arith.constant 1 : i32
    %select_n3A_20 = arith.select %eq3A_18, %jit3A_19, %jit3A_17 : i32
    %rem3A_21 = arith.remsi %add3A, %select_n3A_20 : i32
    %ne3A_22 = arith.constant 0 : i32
    %ne3A_23 = arith.cmpi ne, %rem3A_21, %ne3A_22 : i32
    %lt3A = arith.constant 0 : i32
    %lt3A_24 = arith.cmpi slt, %rem3A_21, %lt3A : i32
    %lt3A_25 = arith.constant 0 : i32
    %lt3A_26 = arith.cmpi slt, %select_n3A_20, %lt3A_25 : i32
    %ne3A_27 = arith.xori %lt3A_24, %lt3A_26 : i1
    %and3A_28 = arith.andi %ne3A_27, %ne3A_23 : i1
    %add3A_29 = arith.addi %rem3A_21, %select_n3A_20 : i32
    %select_n3A_30 = arith.select %and3A_28, %add3A_29, %rem3A_21 : i32
    %broadcast_in_dim3A = arith.constant 0.000000e+00 : f32
    %broadcast_in_dim3A_31 = vector.broadcast %broadcast_in_dim3A : f32 to vector<16xf32>
    %broadcast_in_dim3A_32 = arith.constant 0 : i32
    %broadcast_in_dim3A_33 = vector.broadcast %broadcast_in_dim3A_32 : i32 to vector<16xi32>
    %scan3A = arith.constant 0 : i32
    %scan3A_34 = arith.constant 32 : i32
    %scan3A_35 = arith.addi %scan3A, %scan3A_34 : i32
    %scan3A_36 = arith.constant 1 : i32
    %scan3A_37:2 = scf.for %scan3A_48 = %scan3A to %scan3A_35 step %scan3A_36 iter_args(%scan3A_49 = %broadcast_in_dim3A_31, %scan3A_50 = %broadcast_in_dim3A_33) -> (vector<16xf32>, vector<16xi32>)  : i32 {
      %mul3A_51 = arith.constant 512 : i32
      %mul3A_52 = arith.muli %select_n3A_30, %mul3A_51 : i32
      %mul3A_53 = arith.constant 16 : i32
      %mul3A_54 = arith.muli %scan3A_48, %mul3A_53 : i32
      %add3A_55 = arith.addi %mul3A_52, %mul3A_54 : i32
      %multiple_of3A = tpu.assume_multiple %add3A_55, 16 : i32
      "tpu.region"() ({
        %run_scoped3A = tpu.sem_alloc : memref<!tpu.dma_semaphore, #tpu.memory_space<semaphore_mem>>
        %dma_start3A = arith.constant 0 : i32
        %dma_start3A_62 = tpu.memref_slice %arg2[%select_n3A, %multiple_of3A, %dma_start3A] : memref<8x2048x2048xf32, #tpu.memory_space<hbm>> -> memref<1x16x2048xf32, #tpu.memory_space<hbm>>
        %dma_start3A_63 = tpu.memref_squeeze %dma_start3A_62 : memref<1x16x2048xf32, #tpu.memory_space<hbm>> -> memref<16x2048xf32, #tpu.memory_space<hbm>>
        %dma_start3A_64 = arith.constant 0 : i32
        %dma_start3A_65 = tpu.memref_slice %arg2[%select_n3A, %multiple_of3A, %dma_start3A_64] : memref<8x2048x2048xf32, #tpu.memory_space<hbm>> -> memref<1x16x2048xf32, #tpu.memory_space<hbm>>
        %dma_start3A_66 = tpu.memref_squeeze %dma_start3A_65 : memref<1x16x2048xf32, #tpu.memory_space<hbm>> -> memref<16x2048xf32, #tpu.memory_space<hbm>>
        tpu.enqueue_dma source(%dma_start3A_66 : memref<16x2048xf32, #tpu.memory_space<hbm>>) target(%arg5 : memref<16x2048xf32, #tpu.memory_space<vmem>>) target_semaphore(%run_scoped3A : memref<!tpu.dma_semaphore, #tpu.memory_space<semaphore_mem>>)
        %dma_wait3A = arith.constant 0 : i32
        %dma_wait3A_67 = tpu.memref_slice %arg2[%select_n3A, %multiple_of3A, %dma_wait3A] : memref<8x2048x2048xf32, #tpu.memory_space<hbm>> -> memref<1x16x2048xf32, #tpu.memory_space<hbm>>
        %dma_wait3A_68 = tpu.memref_squeeze %dma_wait3A_67 : memref<1x16x2048xf32, #tpu.memory_space<hbm>> -> memref<16x2048xf32, #tpu.memory_space<hbm>>
        %dma_wait3A_69 = arith.constant 0 : i32
        %dma_wait3A_70 = tpu.memref_slice %arg2[%select_n3A, %multiple_of3A, %dma_wait3A_69] : memref<8x2048x2048xf32, #tpu.memory_space<hbm>> -> memref<1x16x2048xf32, #tpu.memory_space<hbm>>
        %dma_wait3A_71 = tpu.memref_squeeze %dma_wait3A_70 : memref<1x16x2048xf32, #tpu.memory_space<hbm>> -> memref<16x2048xf32, #tpu.memory_space<hbm>>
        tpu.wait_dma2 semaphore(%run_scoped3A : memref<!tpu.dma_semaphore, #tpu.memory_space<semaphore_mem>>) src(%dma_wait3A_71 : memref<16x2048xf32, #tpu.memory_space<hbm>>) dst(%arg5 : memref<16x2048xf32, #tpu.memory_space<vmem>>)
        tpu.yield
      }) : () -> ()
      "tpu.region"() ({
        %run_scoped3A = tpu.sem_alloc : memref<!tpu.dma_semaphore, #tpu.memory_space<semaphore_mem>>
        %dma_start3A = arith.constant 0 : i32
        %dma_start3A_62 = tpu.memref_slice %arg3[%select_n3A, %multiple_of3A, %dma_start3A] : memref<8x2049x512xi32, #tpu.memory_space<hbm>> -> memref<1x16x512xi32, #tpu.memory_space<hbm>>
        %dma_start3A_63 = tpu.memref_squeeze %dma_start3A_62 : memref<1x16x512xi32, #tpu.memory_space<hbm>> -> memref<16x512xi32, #tpu.memory_space<hbm>>
        %dma_start3A_64 = arith.constant 0 : i32
        %dma_start3A_65 = tpu.memref_slice %arg3[%select_n3A, %multiple_of3A, %dma_start3A_64] : memref<8x2049x512xi32, #tpu.memory_space<hbm>> -> memref<1x16x512xi32, #tpu.memory_space<hbm>>
        %dma_start3A_66 = tpu.memref_squeeze %dma_start3A_65 : memref<1x16x512xi32, #tpu.memory_space<hbm>> -> memref<16x512xi32, #tpu.memory_space<hbm>>
        tpu.enqueue_dma source(%dma_start3A_66 : memref<16x512xi32, #tpu.memory_space<hbm>>) target(%arg6 : memref<16x512xi32, #tpu.memory_space<vmem>>) target_semaphore(%run_scoped3A : memref<!tpu.dma_semaphore, #tpu.memory_space<semaphore_mem>>)
        %dma_wait3A = arith.constant 0 : i32
        %dma_wait3A_67 = tpu.memref_slice %arg3[%select_n3A, %multiple_of3A, %dma_wait3A] : memref<8x2049x512xi32, #tpu.memory_space<hbm>> -> memref<1x16x512xi32, #tpu.memory_space<hbm>>
        %dma_wait3A_68 = tpu.memref_squeeze %dma_wait3A_67 : memref<1x16x512xi32, #tpu.memory_space<hbm>> -> memref<16x512xi32, #tpu.memory_space<hbm>>
        %dma_wait3A_69 = arith.constant 0 : i32
        %dma_wait3A_70 = tpu.memref_slice %arg3[%select_n3A, %multiple_of3A, %dma_wait3A_69] : memref<8x2049x512xi32, #tpu.memory_space<hbm>> -> memref<1x16x512xi32, #tpu.memory_space<hbm>>
        %dma_wait3A_71 = tpu.memref_squeeze %dma_wait3A_70 : memref<1x16x512xi32, #tpu.memory_space<hbm>> -> memref<16x512xi32, #tpu.memory_space<hbm>>
        tpu.wait_dma2 semaphore(%run_scoped3A : memref<!tpu.dma_semaphore, #tpu.memory_space<semaphore_mem>>) src(%dma_wait3A_71 : memref<16x512xi32, #tpu.memory_space<hbm>>) dst(%arg6 : memref<16x512xi32, #tpu.memory_space<vmem>>)
        tpu.yield
      }) : () -> ()
      %scan3A_56 = arith.constant 0 : i32
      %scan3A_57 = arith.constant 32 : i32
      %scan3A_58 = arith.addi %scan3A_56, %scan3A_57 : i32
      %scan3A_59 = arith.constant 1 : i32
      %scan3A_60:2 = scf.for %scan3A_62 = %scan3A_56 to %scan3A_58 step %scan3A_59 iter_args(%scan3A_63 = %scan3A_49, %scan3A_64 = %scan3A_50) -> (vector<16xf32>, vector<16xi32>)  : i32 {
        %mul3A_65 = arith.constant 64 : i32
        %mul3A_66 = arith.muli %scan3A_62, %mul3A_65 : i32
        %multiple_of3A_67 = tpu.assume_multiple %mul3A_66, 64 : i32
        %mul3A_68 = arith.constant 16 : i32
        %mul3A_69 = arith.muli %scan3A_62, %mul3A_68 : i32
        %multiple_of3A_70 = tpu.assume_multiple %mul3A_69, 16 : i32
        %get3A = arith.constant 0 : i32
        %get3A_71 = arith.index_cast %get3A : i32 to index
        %get3A_72 = arith.index_cast %multiple_of3A_70 : i32 to index
        %get3A_73 = tpu.vector_load %arg6[%get3A_71, %get3A_72] {strides = array<i32>} : memref<16x512xi32, #tpu.memory_space<vmem>>, vector<1x16xi32>,
        %get3A_74 = vector.shape_cast %get3A_73 : vector<1x16xi32> to vector<16xi32>
        %add3A_75 = arith.addi %broadcast_in_dim3A_33, %get3A_74 : vector<16xi32>
        %add3A_76 = arith.constant 0 : i32
        %add3A_77 = arith.addi %multiple_of3A_67, %add3A_76 : i32
        %get3A_78 = arith.constant 0 : i32
        %get3A_79 = arith.index_cast %get3A_78 : i32 to index
        %get3A_80 = arith.index_cast %add3A_77 : i32 to index
        %get3A_81 = tpu.vector_load %arg5[%get3A_79, %get3A_80] {strides = array<i32>} : memref<16x2048xf32, #tpu.memory_space<vmem>>, vector<1x16xf32>,
        %get3A_82 = vector.shape_cast %get3A_81 : vector<1x16xf32> to vector<16xf32>
        %shift_left3A = arith.constant 31 : i32
        %shift_left3A_83 = vector.broadcast %shift_left3A : i32 to vector<16xi32>
        %shift_left3A_84 = arith.shli %get3A_74, %shift_left3A_83 : vector<16xi32>
        %lt3A_85 = arith.constant 0 : i32
        %lt3A_86 = vector.broadcast %lt3A_85 : i32 to vector<16xi32>
        %lt3A_87 = arith.cmpi slt, %shift_left3A_84, %lt3A_86 : vector<16xi32>
        %select_n3A_88 = arith.select %lt3A_87, %get3A_82, %broadcast_in_dim3A_31 : vector<16xi1>, vector<16xf32>
        %add3A_89 = arith.addf %scan3A_63, %select_n3A_88 : vector<16xf32>
        %add3A_90 = arith.constant 16 : i32
        %add3A_91 = arith.addi %multiple_of3A_67, %add3A_90 : i32
        %get3A_92 = arith.constant 0 : i32
        %get3A_93 = arith.index_cast %get3A_92 : i32 to index
        %get3A_94 = arith.index_cast %add3A_91 : i32 to index
        %get3A_95 = tpu.vector_load %arg5[%get3A_93, %get3A_94] {strides = array<i32>} : memref<16x2048xf32, #tpu.memory_space<vmem>>, vector<1x16xf32>,
        %get3A_96 = vector.shape_cast %get3A_95 : vector<1x16xf32> to vector<16xf32>
        %shift_left3A_97 = arith.constant 23 : i32
        %shift_left3A_98 = vector.broadcast %shift_left3A_97 : i32 to vector<16xi32>
        %shift_left3A_99 = arith.shli %get3A_74, %shift_left3A_98 : vector<16xi32>
        %lt3A_100 = arith.constant 0 : i32
        %lt3A_101 = vector.broadcast %lt3A_100 : i32 to vector<16xi32>
        %lt3A_102 = arith.cmpi slt, %shift_left3A_99, %lt3A_101 : vector<16xi32>
        %select_n3A_103 = arith.select %lt3A_102, %get3A_96, %broadcast_in_dim3A_31 : vector<16xi1>, vector<16xf32>
        %add3A_104 = arith.addf %add3A_89, %select_n3A_103 : vector<16xf32>
        %add3A_105 = arith.constant 32 : i32
        %add3A_106 = arith.addi %multiple_of3A_67, %add3A_105 : i32
        %get3A_107 = arith.constant 0 : i32
        %get3A_108 = arith.index_cast %get3A_107 : i32 to index
        %get3A_109 = arith.index_cast %add3A_106 : i32 to index
        %get3A_110 = tpu.vector_load %arg5[%get3A_108, %get3A_109] {strides = array<i32>} : memref<16x2048xf32, #tpu.memory_space<vmem>>, vector<1x16xf32>,
        %get3A_111 = vector.shape_cast %get3A_110 : vector<1x16xf32> to vector<16xf32>
        %shift_left3A_112 = arith.constant 15 : i32
        %shift_left3A_113 = vector.broadcast %shift_left3A_112 : i32 to vector<16xi32>
        %shift_left3A_114 = arith.shli %get3A_74, %shift_left3A_113 : vector<16xi32>
        %lt3A_115 = arith.constant 0 : i32
        %lt3A_116 = vector.broadcast %lt3A_115 : i32 to vector<16xi32>
        %lt3A_117 = arith.cmpi slt, %shift_left3A_114, %lt3A_116 : vector<16xi32>
        %select_n3A_118 = arith.select %lt3A_117, %get3A_111, %broadcast_in_dim3A_31 : vector<16xi1>, vector<16xf32>
        %add3A_119 = arith.addf %add3A_104, %select_n3A_118 : vector<16xf32>
        %add3A_120 = arith.constant 48 : i32
        %add3A_121 = arith.addi %multiple_of3A_67, %add3A_120 : i32
        %get3A_122 = arith.constant 0 : i32
        %get3A_123 = arith.index_cast %get3A_122 : i32 to index
        %get3A_124 = arith.index_cast %add3A_121 : i32 to index
        %get3A_125 = tpu.vector_load %arg5[%get3A_123, %get3A_124] {strides = array<i32>} : memref<16x2048xf32, #tpu.memory_space<vmem>>, vector<1x16xf32>,
        %get3A_126 = vector.shape_cast %get3A_125 : vector<1x16xf32> to vector<16xf32>
        %shift_left3A_127 = arith.constant 7 : i32
        %shift_left3A_128 = vector.broadcast %shift_left3A_127 : i32 to vector<16xi32>
        %shift_left3A_129 = arith.shli %get3A_74, %shift_left3A_128 : vector<16xi32>
        %lt3A_130 = arith.constant 0 : i32
        %lt3A_131 = vector.broadcast %lt3A_130 : i32 to vector<16xi32>
        %lt3A_132 = arith.cmpi slt, %shift_left3A_129, %lt3A_131 : vector<16xi32>
        %select_n3A_133 = arith.select %lt3A_132, %get3A_126, %broadcast_in_dim3A_31 : vector<16xi1>, vector<16xf32>
        %add3A_134 = arith.addf %add3A_119, %select_n3A_133 : vector<16xf32>
        %get3A_135 = arith.constant 1 : i32
        %get3A_136 = arith.index_cast %get3A_135 : i32 to index
        %get3A_137 = arith.index_cast %multiple_of3A_70 : i32 to index
        %get3A_138 = tpu.vector_load %arg6[%get3A_136, %get3A_137] {strides = array<i32>} : memref<16x512xi32, #tpu.memory_space<vmem>>, vector<1x16xi32>,
        %get3A_139 = vector.shape_cast %get3A_138 : vector<1x16xi32> to vector<16xi32>
        %add3A_140 = arith.addi %add3A_75, %get3A_139 : vector<16xi32>
        %add3A_141 = arith.constant 0 : i32
        %add3A_142 = arith.addi %multiple_of3A_67, %add3A_141 : i32
        %get3A_143 = arith.constant 1 : i32
        %get3A_144 = arith.index_cast %get3A_143 : i32 to index
        %get3A_145 = arith.index_cast %add3A_142 : i32 to index
        %get3A_146 = tpu.vector_load %arg5[%get3A_144, %get3A_145] {strides = array<i32>} : memref<16x2048xf32, #tpu.memory_space<vmem>>, vector<1x16xf32>,
        %get3A_147 = vector.shape_cast %get3A_146 : vector<1x16xf32> to vector<16xf32>
        %shift_left3A_148 = arith.constant 31 : i32
        %shift_left3A_149 = vector.broadcast %shift_left3A_148 : i32 to vector<16xi32>
        %shift_left3A_150 = arith.shli %get3A_139, %shift_left3A_149 : vector<16xi32>
        %lt3A_151 = arith.constant 0 : i32
        %lt3A_152 = vector.broadcast %lt3A_151 : i32 to vector<16xi32>
        %lt3A_153 = arith.cmpi slt, %shift_left3A_150, %lt3A_152 : vector<16xi32>
        %select_n3A_154 = arith.select %lt3A_153, %get3A_147, %broadcast_in_dim3A_31 : vector<16xi1>, vector<16xf32>
        %add3A_155 = arith.addf %add3A_134, %select_n3A_154 : vector<16xf32>
        %add3A_156 = arith.constant 16 : i32
        %add3A_157 = arith.addi %multiple_of3A_67, %add3A_156 : i32
        %get3A_158 = arith.constant 1 : i32
        %get3A_159 = arith.index_cast %get3A_158 : i32 to index
        %get3A_160 = arith.index_cast %add3A_157 : i32 to index
        %get3A_161 = tpu.vector_load %arg5[%get3A_159, %get3A_160] {strides = array<i32>} : memref<16x2048xf32, #tpu.memory_space<vmem>>, vector<1x16xf32>,
        %get3A_162 = vector.shape_cast %get3A_161 : vector<1x16xf32> to vector<16xf32>
        %shift_left3A_163 = arith.constant 23 : i32
        %shift_left3A_164 = vector.broadcast %shift_left3A_163 : i32 to vector<16xi32>
        %shift_left3A_165 = arith.shli %get3A_139, %shift_left3A_164 : vector<16xi32>
        %lt3A_166 = arith.constant 0 : i32
        %lt3A_167 = vector.broadcast %lt3A_166 : i32 to vector<16xi32>
        %lt3A_168 = arith.cmpi slt, %shift_left3A_165, %lt3A_167 : vector<16xi32>
        %select_n3A_169 = arith.select %lt3A_168, %get3A_162, %broadcast_in_dim3A_31 : vector<16xi1>, vector<16xf32>
        %add3A_170 = arith.addf %add3A_155, %select_n3A_169 : vector<16xf32>
        %add3A_171 = arith.constant 32 : i32
        %add3A_172 = arith.addi %multiple_of3A_67, %add3A_171 : i32
        %get3A_173 = arith.constant 1 : i32
        %get3A_174 = arith.index_cast %get3A_173 : i32 to index
        %get3A_175 = arith.index_cast %add3A_172 : i32 to index
        %get3A_176 = tpu.vector_load %arg5[%get3A_174, %get3A_175] {strides = array<i32>} : memref<16x2048xf32, #tpu.memory_space<vmem>>, vector<1x16xf32>,
        %get3A_177 = vector.shape_cast %get3A_176 : vector<1x16xf32> to vector<16xf32>
        %shift_left3A_178 = arith.constant 15 : i32
        %shift_left3A_179 = vector.broadcast %shift_left3A_178 : i32 to vector<16xi32>
        %shift_left3A_180 = arith.shli %get3A_139, %shift_left3A_179 : vector<16xi32>
        %lt3A_181 = arith.constant 0 : i32
        %lt3A_182 = vector.broadcast %lt3A_181 : i32 to vector<16xi32>
        %lt3A_183 = arith.cmpi slt, %shift_left3A_180, %lt3A_182 : vector<16xi32>
        %select_n3A_184 = arith.select %lt3A_183, %get3A_177, %broadcast_in_dim3A_31 : vector<16xi1>, vector<16xf32>
        %add3A_185 = arith.addf %add3A_170, %select_n3A_184 : vector<16xf32>
        %add3A_186 = arith.constant 48 : i32
        %add3A_187 = arith.addi %multiple_of3A_67, %add3A_186 : i32
        %get3A_188 = arith.constant 1 : i32
        %get3A_189 = arith.index_cast %get3A_188 : i32 to index
        %get3A_190 = arith.index_cast %add3A_187 : i32 to index
        %get3A_191 = tpu.vector_load %arg5[%get3A_189, %get3A_190] {strides = array<i32>} : memref<16x2048xf32, #tpu.memory_space<vmem>>, vector<1x16xf32>,
        %get3A_192 = vector.shape_cast %get3A_191 : vector<1x16xf32> to vector<16xf32>
        %shift_left3A_193 = arith.constant 7 : i32
        %shift_left3A_194 = vector.broadcast %shift_left3A_193 : i32 to vector<16xi32>
        %shift_left3A_195 = arith.shli %get3A_139, %shift_left3A_194 : vector<16xi32>
        %lt3A_196 = arith.constant 0 : i32
        %lt3A_197 = vector.broadcast %lt3A_196 : i32 to vector<16xi32>
        %lt3A_198 = arith.cmpi slt, %shift_left3A_195, %lt3A_197 : vector<16xi32>
        %select_n3A_199 = arith.select %lt3A_198, %get3A_192, %broadcast_in_dim3A_31 : vector<16xi1>, vector<16xf32>
        %add3A_200 = arith.addf %add3A_185, %select_n3A_199 : vector<16xf32>
        %get3A_201 = arith.constant 2 : i32
        %get3A_202 = arith.index_cast %get3A_201 : i32 to index
        %get3A_203 = arith.index_cast %multiple_of3A_70 : i32 to index
        %get3A_204 = tpu.vector_load %arg6[%get3A_202, %get3A_203] {strides = array<i32>} : memref<16x512xi32, #tpu.memory_space<vmem>>, vector<1x16xi32>,
        %get3A_205 = vector.shape_cast %get3A_204 : vector<1x16xi32> to vector<16xi32>
        %add3A_206 = arith.addi %add3A_140, %get3A_205 : vector<16xi32>
        %add3A_207 = arith.constant 0 : i32
        %add3A_208 = arith.addi %multiple_of3A_67, %add3A_207 : i32
        %get3A_209 = arith.constant 2 : i32
        %get3A_210 = arith.index_cast %get3A_209 : i32 to index
        %get3A_211 = arith.index_cast %add3A_208 : i32 to index
        %get3A_212 = tpu.vector_load %arg5[%get3A_210, %get3A_211] {strides = array<i32>} : memref<16x2048xf32, #tpu.memory_space<vmem>>, vector<1x16xf32>,
        %get3A_213 = vector.shape_cast %get3A_212 : vector<1x16xf32> to vector<16xf32>
        %shift_left3A_214 = arith.constant 31 : i32
        %shift_left3A_215 = vector.broadcast %shift_left3A_214 : i32 to vector<16xi32>
        %shift_left3A_216 = arith.shli %get3A_205, %shift_left3A_215 : vector<16xi32>
        %lt3A_217 = arith.constant 0 : i32
        %lt3A_218 = vector.broadcast %lt3A_217 : i32 to vector<16xi32>
        %lt3A_219 = arith.cmpi slt, %shift_left3A_216, %lt3A_218 : vector<16xi32>
        %select_n3A_220 = arith.select %lt3A_219, %get3A_213, %broadcast_in_dim3A_31 : vector<16xi1>, vector<16xf32>
        %add3A_221 = arith.addf %add3A_200, %select_n3A_220 : vector<16xf32>
        %add3A_222 = arith.constant 16 : i32
        %add3A_223 = arith.addi %multiple_of3A_67, %add3A_222 : i32
        %get3A_224 = arith.constant 2 : i32
        %get3A_225 = arith.index_cast %get3A_224 : i32 to index
        %get3A_226 = arith.index_cast %add3A_223 : i32 to index
        %get3A_227 = tpu.vector_load %arg5[%get3A_225, %get3A_226] {strides = array<i32>} : memref<16x2048xf32, #tpu.memory_space<vmem>>, vector<1x16xf32>,
        %get3A_228 = vector.shape_cast %get3A_227 : vector<1x16xf32> to vector<16xf32>
        %shift_left3A_229 = arith.constant 23 : i32
        %shift_left3A_230 = vector.broadcast %shift_left3A_229 : i32 to vector<16xi32>
        %shift_left3A_231 = arith.shli %get3A_205, %shift_left3A_230 : vector<16xi32>
        %lt3A_232 = arith.constant 0 : i32
        %lt3A_233 = vector.broadcast %lt3A_232 : i32 to vector<16xi32>
        %lt3A_234 = arith.cmpi slt, %shift_left3A_231, %lt3A_233 : vector<16xi32>
        %select_n3A_235 = arith.select %lt3A_234, %get3A_228, %broadcast_in_dim3A_31 : vector<16xi1>, vector<16xf32>
        %add3A_236 = arith.addf %add3A_221, %select_n3A_235 : vector<16xf32>
        %add3A_237 = arith.constant 32 : i32
        %add3A_238 = arith.addi %multiple_of3A_67, %add3A_237 : i32
        %get3A_239 = arith.constant 2 : i32
        %get3A_240 = arith.index_cast %get3A_239 : i32 to index
        %get3A_241 = arith.index_cast %add3A_238 : i32 to index
        %get3A_242 = tpu.vector_load %arg5[%get3A_240, %get3A_241] {strides = array<i32>} : memref<16x2048xf32, #tpu.memory_space<vmem>>, vector<1x16xf32>,
        %get3A_243 = vector.shape_cast %get3A_242 : vector<1x16xf32> to vector<16xf32>
        %shift_left3A_244 = arith.constant 15 : i32
        %shift_left3A_245 = vector.broadcast %shift_left3A_244 : i32 to vector<16xi32>
        %shift_left3A_246 = arith.shli %get3A_205, %shift_left3A_245 : vector<16xi32>
        %lt3A_247 = arith.constant 0 : i32
        %lt3A_248 = vector.broadcast %lt3A_247 : i32 to vector<16xi32>
        %lt3A_249 = arith.cmpi slt, %shift_left3A_246, %lt3A_248 : vector<16xi32>
        %select_n3A_250 = arith.select %lt3A_249, %get3A_243, %broadcast_in_dim3A_31 : vector<16xi1>, vector<16xf32>
        %add3A_251 = arith.addf %add3A_236, %select_n3A_250 : vector<16xf32>
        %add3A_252 = arith.constant 48 : i32
        %add3A_253 = arith.addi %multiple_of3A_67, %add3A_252 : i32
        %get3A_254 = arith.constant 2 : i32
        %get3A_255 = arith.index_cast %get3A_254 : i32 to index
        %get3A_256 = arith.index_cast %add3A_253 : i32 to index
        %get3A_257 = tpu.vector_load %arg5[%get3A_255, %get3A_256] {strides = array<i32>} : memref<16x2048xf32, #tpu.memory_space<vmem>>, vector<1x16xf32>,
        %get3A_258 = vector.shape_cast %get3A_257 : vector<1x16xf32> to vector<16xf32>
        %shift_left3A_259 = arith.constant 7 : i32
        %shift_left3A_260 = vector.broadcast %shift_left3A_259 : i32 to vector<16xi32>
        %shift_left3A_261 = arith.shli %get3A_205, %shift_left3A_260 : vector<16xi32>
        %lt3A_262 = arith.constant 0 : i32
        %lt3A_263 = vector.broadcast %lt3A_262 : i32 to vector<16xi32>
        %lt3A_264 = arith.cmpi slt, %shift_left3A_261, %lt3A_263 : vector<16xi32>
        %select_n3A_265 = arith.select %lt3A_264, %get3A_258, %broadcast_in_dim3A_31 : vector<16xi1>, vector<16xf32>
        %add3A_266 = arith.addf %add3A_251, %select_n3A_265 : vector<16xf32>
        %get3A_267 = arith.constant 3 : i32
        %get3A_268 = arith.index_cast %get3A_267 : i32 to index
        %get3A_269 = arith.index_cast %multiple_of3A_70 : i32 to index
        %get3A_270 = tpu.vector_load %arg6[%get3A_268, %get3A_269] {strides = array<i32>} : memref<16x512xi32, #tpu.memory_space<vmem>>, vector<1x16xi32>,
        %get3A_271 = vector.shape_cast %get3A_270 : vector<1x16xi32> to vector<16xi32>
        %add3A_272 = arith.addi %add3A_206, %get3A_271 : vector<16xi32>
        %add3A_273 = arith.constant 0 : i32
        %add3A_274 = arith.addi %multiple_of3A_67, %add3A_273 : i32
        %get3A_275 = arith.constant 3 : i32
        %get3A_276 = arith.index_cast %get3A_275 : i32 to index
        %get3A_277 = arith.index_cast %add3A_274 : i32 to index
        %get3A_278 = tpu.vector_load %arg5[%get3A_276, %get3A_277] {strides = array<i32>} : memref<16x2048xf32, #tpu.memory_space<vmem>>, vector<1x16xf32>,
        %get3A_279 = vector.shape_cast %get3A_278 : vector<1x16xf32> to vector<16xf32>
        %shift_left3A_280 = arith.constant 31 : i32
        %shift_left3A_281 = vector.broadcast %shift_left3A_280 : i32 to vector<16xi32>
        %shift_left3A_282 = arith.shli %get3A_271, %shift_left3A_281 : vector<16xi32>
        %lt3A_283 = arith.constant 0 : i32
        %lt3A_284 = vector.broadcast %lt3A_283 : i32 to vector<16xi32>
        %lt3A_285 = arith.cmpi slt, %shift_left3A_282, %lt3A_284 : vector<16xi32>
        %select_n3A_286 = arith.select %lt3A_285, %get3A_279, %broadcast_in_dim3A_31 : vector<16xi1>, vector<16xf32>
        %add3A_287 = arith.addf %add3A_266, %select_n3A_286 : vector<16xf32>
        %add3A_288 = arith.constant 16 : i32
        %add3A_289 = arith.addi %multiple_of3A_67, %add3A_288 : i32
        %get3A_290 = arith.constant 3 : i32
        %get3A_291 = arith.index_cast %get3A_290 : i32 to index
        %get3A_292 = arith.index_cast %add3A_289 : i32 to index
        %get3A_293 = tpu.vector_load %arg5[%get3A_291, %get3A_292] {strides = array<i32>} : memref<16x2048xf32, #tpu.memory_space<vmem>>, vector<1x16xf32>,
        %get3A_294 = vector.shape_cast %get3A_293 : vector<1x16xf32> to vector<16xf32>
        %shift_left3A_295 = arith.constant 23 : i32
        %shift_left3A_296 = vector.broadcast %shift_left3A_295 : i32 to vector<16xi32>
        %shift_left3A_297 = arith.shli %get3A_271, %shift_left3A_296 : vector<16xi32>
        %lt3A_298 = arith.constant 0 : i32
        %lt3A_299 = vector.broadcast %lt3A_298 : i32 to vector<16xi32>
        %lt3A_300 = arith.cmpi slt, %shift_left3A_297, %lt3A_299 : vector<16xi32>
        %select_n3A_301 = arith.select %lt3A_300, %get3A_294, %broadcast_in_dim3A_31 : vector<16xi1>, vector<16xf32>
        %add3A_302 = arith.addf %add3A_287, %select_n3A_301 : vector<16xf32>
        %add3A_303 = arith.constant 32 : i32
        %add3A_304 = arith.addi %multiple_of3A_67, %add3A_303 : i32
        %get3A_305 = arith.constant 3 : i32
        %get3A_306 = arith.index_cast %get3A_305 : i32 to index
        %get3A_307 = arith.index_cast %add3A_304 : i32 to index
        %get3A_308 = tpu.vector_load %arg5[%get3A_306, %get3A_307] {strides = array<i32>} : memref<16x2048xf32, #tpu.memory_space<vmem>>, vector<1x16xf32>,
        %get3A_309 = vector.shape_cast %get3A_308 : vector<1x16xf32> to vector<16xf32>
        %shift_left3A_310 = arith.constant 15 : i32
        %shift_left3A_311 = vector.broadcast %shift_left3A_310 : i32 to vector<16xi32>
        %shift_left3A_312 = arith.shli %get3A_271, %shift_left3A_311 : vector<16xi32>
        %lt3A_313 = arith.constant 0 : i32
        %lt3A_314 = vector.broadcast %lt3A_313 : i32 to vector<16xi32>
        %lt3A_315 = arith.cmpi slt, %shift_left3A_312, %lt3A_314 : vector<16xi32>
        %select_n3A_316 = arith.select %lt3A_315, %get3A_309, %broadcast_in_dim3A_31 : vector<16xi1>, vector<16xf32>
        %add3A_317 = arith.addf %add3A_302, %select_n3A_316 : vector<16xf32>
        %add3A_318 = arith.constant 48 : i32
        %add3A_319 = arith.addi %multiple_of3A_67, %add3A_318 : i32
        %get3A_320 = arith.constant 3 : i32
        %get3A_321 = arith.index_cast %get3A_320 : i32 to index
        %get3A_322 = arith.index_cast %add3A_319 : i32 to index
        %get3A_323 = tpu.vector_load %arg5[%get3A_321, %get3A_322] {strides = array<i32>} : memref<16x2048xf32, #tpu.memory_space<vmem>>, vector<1x16xf32>,
        %get3A_324 = vector.shape_cast %get3A_323 : vector<1x16xf32> to vector<16xf32>
        %shift_left3A_325 = arith.constant 7 : i32
        %shift_left3A_326 = vector.broadcast %shift_left3A_325 : i32 to vector<16xi32>
        %shift_left3A_327 = arith.shli %get3A_271, %shift_left3A_326 : vector<16xi32>
        %lt3A_328 = arith.constant 0 : i32
        %lt3A_329 = vector.broadcast %lt3A_328 : i32 to vector<16xi32>
        %lt3A_330 = arith.cmpi slt, %shift_left3A_327, %lt3A_329 : vector<16xi32>
        %select_n3A_331 = arith.select %lt3A_330, %get3A_324, %broadcast_in_dim3A_31 : vector<16xi1>, vector<16xf32>
        %add3A_332 = arith.addf %add3A_317, %select_n3A_331 : vector<16xf32>
        %get3A_333 = arith.constant 4 : i32
        %get3A_334 = arith.index_cast %get3A_333 : i32 to index
        %get3A_335 = arith.index_cast %multiple_of3A_70 : i32 to index
        %get3A_336 = tpu.vector_load %arg6[%get3A_334, %get3A_335] {strides = array<i32>} : memref<16x512xi32, #tpu.memory_space<vmem>>, vector<1x16xi32>,
        %get3A_337 = vector.shape_cast %get3A_336 : vector<1x16xi32> to vector<16xi32>
        %add3A_338 = arith.addi %add3A_272, %get3A_337 : vector<16xi32>
        %add3A_339 = arith.constant 0 : i32
        %add3A_340 = arith.addi %multiple_of3A_67, %add3A_339 : i32
        %get3A_341 = arith.constant 4 : i32
        %get3A_342 = arith.index_cast %get3A_341 : i32 to index
        %get3A_343 = arith.index_cast %add3A_340 : i32 to index
        %get3A_344 = tpu.vector_load %arg5[%get3A_342, %get3A_343] {strides = array<i32>} : memref<16x2048xf32, #tpu.memory_space<vmem>>, vector<1x16xf32>,
        %get3A_345 = vector.shape_cast %get3A_344 : vector<1x16xf32> to vector<16xf32>
        %shift_left3A_346 = arith.constant 31 : i32
        %shift_left3A_347 = vector.broadcast %shift_left3A_346 : i32 to vector<16xi32>
        %shift_left3A_348 = arith.shli %get3A_337, %shift_left3A_347 : vector<16xi32>
        %lt3A_349 = arith.constant 0 : i32
        %lt3A_350 = vector.broadcast %lt3A_349 : i32 to vector<16xi32>
        %lt3A_351 = arith.cmpi slt, %shift_left3A_348, %lt3A_350 : vector<16xi32>
        %select_n3A_352 = arith.select %lt3A_351, %get3A_345, %broadcast_in_dim3A_31 : vector<16xi1>, vector<16xf32>
        %add3A_353 = arith.addf %add3A_332, %select_n3A_352 : vector<16xf32>
        %add3A_354 = arith.constant 16 : i32
        %add3A_355 = arith.addi %multiple_of3A_67, %add3A_354 : i32
        %get3A_356 = arith.constant 4 : i32
        %get3A_357 = arith.index_cast %get3A_356 : i32 to index
        %get3A_358 = arith.index_cast %add3A_355 : i32 to index
        %get3A_359 = tpu.vector_load %arg5[%get3A_357, %get3A_358] {strides = array<i32>} : memref<16x2048xf32, #tpu.memory_space<vmem>>, vector<1x16xf32>,
        %get3A_360 = vector.shape_cast %get3A_359 : vector<1x16xf32> to vector<16xf32>
        %shift_left3A_361 = arith.constant 23 : i32
        %shift_left3A_362 = vector.broadcast %shift_left3A_361 : i32 to vector<16xi32>
        %shift_left3A_363 = arith.shli %get3A_337, %shift_left3A_362 : vector<16xi32>
        %lt3A_364 = arith.constant 0 : i32
        %lt3A_365 = vector.broadcast %lt3A_364 : i32 to vector<16xi32>
        %lt3A_366 = arith.cmpi slt, %shift_left3A_363, %lt3A_365 : vector<16xi32>
        %select_n3A_367 = arith.select %lt3A_366, %get3A_360, %broadcast_in_dim3A_31 : vector<16xi1>, vector<16xf32>
        %add3A_368 = arith.addf %add3A_353, %select_n3A_367 : vector<16xf32>
        %add3A_369 = arith.constant 32 : i32
        %add3A_370 = arith.addi %multiple_of3A_67, %add3A_369 : i32
        %get3A_371 = arith.constant 4 : i32
        %get3A_372 = arith.index_cast %get3A_371 : i32 to index
        %get3A_373 = arith.index_cast %add3A_370 : i32 to index
        %get3A_374 = tpu.vector_load %arg5[%get3A_372, %get3A_373] {strides = array<i32>} : memref<16x2048xf32, #tpu.memory_space<vmem>>, vector<1x16xf32>,
        %get3A_375 = vector.shape_cast %get3A_374 : vector<1x16xf32> to vector<16xf32>
        %shift_left3A_376 = arith.constant 15 : i32
        %shift_left3A_377 = vector.broadcast %shift_left3A_376 : i32 to vector<16xi32>
        %shift_left3A_378 = arith.shli %get3A_337, %shift_left3A_377 : vector<16xi32>
        %lt3A_379 = arith.constant 0 : i32
        %lt3A_380 = vector.broadcast %lt3A_379 : i32 to vector<16xi32>
        %lt3A_381 = arith.cmpi slt, %shift_left3A_378, %lt3A_380 : vector<16xi32>
        %select_n3A_382 = arith.select %lt3A_381, %get3A_375, %broadcast_in_dim3A_31 : vector<16xi1>, vector<16xf32>
        %add3A_383 = arith.addf %add3A_368, %select_n3A_382 : vector<16xf32>
        %add3A_384 = arith.constant 48 : i32
        %add3A_385 = arith.addi %multiple_of3A_67, %add3A_384 : i32
        %get3A_386 = arith.constant 4 : i32
        %get3A_387 = arith.index_cast %get3A_386 : i32 to index
        %get3A_388 = arith.index_cast %add3A_385 : i32 to index
        %get3A_389 = tpu.vector_load %arg5[%get3A_387, %get3A_388] {strides = array<i32>} : memref<16x2048xf32, #tpu.memory_space<vmem>>, vector<1x16xf32>,
        %get3A_390 = vector.shape_cast %get3A_389 : vector<1x16xf32> to vector<16xf32>
        %shift_left3A_391 = arith.constant 7 : i32
        %shift_left3A_392 = vector.broadcast %shift_left3A_391 : i32 to vector<16xi32>
        %shift_left3A_393 = arith.shli %get3A_337, %shift_left3A_392 : vector<16xi32>
        %lt3A_394 = arith.constant 0 : i32
        %lt3A_395 = vector.broadcast %lt3A_394 : i32 to vector<16xi32>
        %lt3A_396 = arith.cmpi slt, %shift_left3A_393, %lt3A_395 : vector<16xi32>
        %select_n3A_397 = arith.select %lt3A_396, %get3A_390, %broadcast_in_dim3A_31 : vector<16xi1>, vector<16xf32>
        %add3A_398 = arith.addf %add3A_383, %select_n3A_397 : vector<16xf32>
        %get3A_399 = arith.constant 5 : i32
        %get3A_400 = arith.index_cast %get3A_399 : i32 to index
        %get3A_401 = arith.index_cast %multiple_of3A_70 : i32 to index
        %get3A_402 = tpu.vector_load %arg6[%get3A_400, %get3A_401] {strides = array<i32>} : memref<16x512xi32, #tpu.memory_space<vmem>>, vector<1x16xi32>,
        %get3A_403 = vector.shape_cast %get3A_402 : vector<1x16xi32> to vector<16xi32>
        %add3A_404 = arith.addi %add3A_338, %get3A_403 : vector<16xi32>
        %add3A_405 = arith.constant 0 : i32
        %add3A_406 = arith.addi %multiple_of3A_67, %add3A_405 : i32
        %get3A_407 = arith.constant 5 : i32
        %get3A_408 = arith.index_cast %get3A_407 : i32 to index
        %get3A_409 = arith.index_cast %add3A_406 : i32 to index
        %get3A_410 = tpu.vector_load %arg5[%get3A_408, %get3A_409] {strides = array<i32>} : memref<16x2048xf32, #tpu.memory_space<vmem>>, vector<1x16xf32>,
        %get3A_411 = vector.shape_cast %get3A_410 : vector<1x16xf32> to vector<16xf32>
        %shift_left3A_412 = arith.constant 31 : i32
        %shift_left3A_413 = vector.broadcast %shift_left3A_412 : i32 to vector<16xi32>
        %shift_left3A_414 = arith.shli %get3A_403, %shift_left3A_413 : vector<16xi32>
        %lt3A_415 = arith.constant 0 : i32
        %lt3A_416 = vector.broadcast %lt3A_415 : i32 to vector<16xi32>
        %lt3A_417 = arith.cmpi slt, %shift_left3A_414, %lt3A_416 : vector<16xi32>
        %select_n3A_418 = arith.select %lt3A_417, %get3A_411, %broadcast_in_dim3A_31 : vector<16xi1>, vector<16xf32>
        %add3A_419 = arith.addf %add3A_398, %select_n3A_418 : vector<16xf32>
        %add3A_420 = arith.constant 16 : i32
        %add3A_421 = arith.addi %multiple_of3A_67, %add3A_420 : i32
        %get3A_422 = arith.constant 5 : i32
        %get3A_423 = arith.index_cast %get3A_422 : i32 to index
        %get3A_424 = arith.index_cast %add3A_421 : i32 to index
        %get3A_425 = tpu.vector_load %arg5[%get3A_423, %get3A_424] {strides = array<i32>} : memref<16x2048xf32, #tpu.memory_space<vmem>>, vector<1x16xf32>,
        %get3A_426 = vector.shape_cast %get3A_425 : vector<1x16xf32> to vector<16xf32>
        %shift_left3A_427 = arith.constant 23 : i32
        %shift_left3A_428 = vector.broadcast %shift_left3A_427 : i32 to vector<16xi32>
        %shift_left3A_429 = arith.shli %get3A_403, %shift_left3A_428 : vector<16xi32>
        %lt3A_430 = arith.constant 0 : i32
        %lt3A_431 = vector.broadcast %lt3A_430 : i32 to vector<16xi32>
        %lt3A_432 = arith.cmpi slt, %shift_left3A_429, %lt3A_431 : vector<16xi32>
        %select_n3A_433 = arith.select %lt3A_432, %get3A_426, %broadcast_in_dim3A_31 : vector<16xi1>, vector<16xf32>
        %add3A_434 = arith.addf %add3A_419, %select_n3A_433 : vector<16xf32>
        %add3A_435 = arith.constant 32 : i32
        %add3A_436 = arith.addi %multiple_of3A_67, %add3A_435 : i32
        %get3A_437 = arith.constant 5 : i32
        %get3A_438 = arith.index_cast %get3A_437 : i32 to index
        %get3A_439 = arith.index_cast %add3A_436 : i32 to index
        %get3A_440 = tpu.vector_load %arg5[%get3A_438, %get3A_439] {strides = array<i32>} : memref<16x2048xf32, #tpu.memory_space<vmem>>, vector<1x16xf32>,
        %get3A_441 = vector.shape_cast %get3A_440 : vector<1x16xf32> to vector<16xf32>
        %shift_left3A_442 = arith.constant 15 : i32
        %shift_left3A_443 = vector.broadcast %shift_left3A_442 : i32 to vector<16xi32>
        %shift_left3A_444 = arith.shli %get3A_403, %shift_left3A_443 : vector<16xi32>
        %lt3A_445 = arith.constant 0 : i32
        %lt3A_446 = vector.broadcast %lt3A_445 : i32 to vector<16xi32>
        %lt3A_447 = arith.cmpi slt, %shift_left3A_444, %lt3A_446 : vector<16xi32>
        %select_n3A_448 = arith.select %lt3A_447, %get3A_441, %broadcast_in_dim3A_31 : vector<16xi1>, vector<16xf32>
        %add3A_449 = arith.addf %add3A_434, %select_n3A_448 : vector<16xf32>
        %add3A_450 = arith.constant 48 : i32
        %add3A_451 = arith.addi %multiple_of3A_67, %add3A_450 : i32
        %get3A_452 = arith.constant 5 : i32
        %get3A_453 = arith.index_cast %get3A_452 : i32 to index
        %get3A_454 = arith.index_cast %add3A_451 : i32 to index
        %get3A_455 = tpu.vector_load %arg5[%get3A_453, %get3A_454] {strides = array<i32>} : memref<16x2048xf32, #tpu.memory_space<vmem>>, vector<1x16xf32>,
        %get3A_456 = vector.shape_cast %get3A_455 : vector<1x16xf32> to vector<16xf32>
        %shift_left3A_457 = arith.constant 7 : i32
        %shift_left3A_458 = vector.broadcast %shift_left3A_457 : i32 to vector<16xi32>
        %shift_left3A_459 = arith.shli %get3A_403, %shift_left3A_458 : vector<16xi32>
        %lt3A_460 = arith.constant 0 : i32
        %lt3A_461 = vector.broadcast %lt3A_460 : i32 to vector<16xi32>
        %lt3A_462 = arith.cmpi slt, %shift_left3A_459, %lt3A_461 : vector<16xi32>
        %select_n3A_463 = arith.select %lt3A_462, %get3A_456, %broadcast_in_dim3A_31 : vector<16xi1>, vector<16xf32>
        %add3A_464 = arith.addf %add3A_449, %select_n3A_463 : vector<16xf32>
        %get3A_465 = arith.constant 6 : i32
        %get3A_466 = arith.index_cast %get3A_465 : i32 to index
        %get3A_467 = arith.index_cast %multiple_of3A_70 : i32 to index
        %get3A_468 = tpu.vector_load %arg6[%get3A_466, %get3A_467] {strides = array<i32>} : memref<16x512xi32, #tpu.memory_space<vmem>>, vector<1x16xi32>,
        %get3A_469 = vector.shape_cast %get3A_468 : vector<1x16xi32> to vector<16xi32>
        %add3A_470 = arith.addi %add3A_404, %get3A_469 : vector<16xi32>
        %add3A_471 = arith.constant 0 : i32
        %add3A_472 = arith.addi %multiple_of3A_67, %add3A_471 : i32
        %get3A_473 = arith.constant 6 : i32
        %get3A_474 = arith.index_cast %get3A_473 : i32 to index
        %get3A_475 = arith.index_cast %add3A_472 : i32 to index
        %get3A_476 = tpu.vector_load %arg5[%get3A_474, %get3A_475] {strides = array<i32>} : memref<16x2048xf32, #tpu.memory_space<vmem>>, vector<1x16xf32>,
        %get3A_477 = vector.shape_cast %get3A_476 : vector<1x16xf32> to vector<16xf32>
        %shift_left3A_478 = arith.constant 31 : i32
        %shift_left3A_479 = vector.broadcast %shift_left3A_478 : i32 to vector<16xi32>
        %shift_left3A_480 = arith.shli %get3A_469, %shift_left3A_479 : vector<16xi32>
        %lt3A_481 = arith.constant 0 : i32
        %lt3A_482 = vector.broadcast %lt3A_481 : i32 to vector<16xi32>
        %lt3A_483 = arith.cmpi slt, %shift_left3A_480, %lt3A_482 : vector<16xi32>
        %select_n3A_484 = arith.select %lt3A_483, %get3A_477, %broadcast_in_dim3A_31 : vector<16xi1>, vector<16xf32>
        %add3A_485 = arith.addf %add3A_464, %select_n3A_484 : vector<16xf32>
        %add3A_486 = arith.constant 16 : i32
        %add3A_487 = arith.addi %multiple_of3A_67, %add3A_486 : i32
        %get3A_488 = arith.constant 6 : i32
        %get3A_489 = arith.index_cast %get3A_488 : i32 to index
        %get3A_490 = arith.index_cast %add3A_487 : i32 to index
        %get3A_491 = tpu.vector_load %arg5[%get3A_489, %get3A_490] {strides = array<i32>} : memref<16x2048xf32, #tpu.memory_space<vmem>>, vector<1x16xf32>,
        %get3A_492 = vector.shape_cast %get3A_491 : vector<1x16xf32> to vector<16xf32>
        %shift_left3A_493 = arith.constant 23 : i32
        %shift_left3A_494 = vector.broadcast %shift_left3A_493 : i32 to vector<16xi32>
        %shift_left3A_495 = arith.shli %get3A_469, %shift_left3A_494 : vector<16xi32>
        %lt3A_496 = arith.constant 0 : i32
        %lt3A_497 = vector.broadcast %lt3A_496 : i32 to vector<16xi32>
        %lt3A_498 = arith.cmpi slt, %shift_left3A_495, %lt3A_497 : vector<16xi32>
        %select_n3A_499 = arith.select %lt3A_498, %get3A_492, %broadcast_in_dim3A_31 : vector<16xi1>, vector<16xf32>
        %add3A_500 = arith.addf %add3A_485, %select_n3A_499 : vector<16xf32>
        %add3A_501 = arith.constant 32 : i32
        %add3A_502 = arith.addi %multiple_of3A_67, %add3A_501 : i32
        %get3A_503 = arith.constant 6 : i32
        %get3A_504 = arith.index_cast %get3A_503 : i32 to index
        %get3A_505 = arith.index_cast %add3A_502 : i32 to index
        %get3A_506 = tpu.vector_load %arg5[%get3A_504, %get3A_505] {strides = array<i32>} : memref<16x2048xf32, #tpu.memory_space<vmem>>, vector<1x16xf32>,
        %get3A_507 = vector.shape_cast %get3A_506 : vector<1x16xf32> to vector<16xf32>
        %shift_left3A_508 = arith.constant 15 : i32
        %shift_left3A_509 = vector.broadcast %shift_left3A_508 : i32 to vector<16xi32>
        %shift_left3A_510 = arith.shli %get3A_469, %shift_left3A_509 : vector<16xi32>
        %lt3A_511 = arith.constant 0 : i32
        %lt3A_512 = vector.broadcast %lt3A_511 : i32 to vector<16xi32>
        %lt3A_513 = arith.cmpi slt, %shift_left3A_510, %lt3A_512 : vector<16xi32>
        %select_n3A_514 = arith.select %lt3A_513, %get3A_507, %broadcast_in_dim3A_31 : vector<16xi1>, vector<16xf32>
        %add3A_515 = arith.addf %add3A_500, %select_n3A_514 : vector<16xf32>
        %add3A_516 = arith.constant 48 : i32
        %add3A_517 = arith.addi %multiple_of3A_67, %add3A_516 : i32
        %get3A_518 = arith.constant 6 : i32
        %get3A_519 = arith.index_cast %get3A_518 : i32 to index
        %get3A_520 = arith.index_cast %add3A_517 : i32 to index
        %get3A_521 = tpu.vector_load %arg5[%get3A_519, %get3A_520] {strides = array<i32>} : memref<16x2048xf32, #tpu.memory_space<vmem>>, vector<1x16xf32>,
        %get3A_522 = vector.shape_cast %get3A_521 : vector<1x16xf32> to vector<16xf32>
        %shift_left3A_523 = arith.constant 7 : i32
        %shift_left3A_524 = vector.broadcast %shift_left3A_523 : i32 to vector<16xi32>
        %shift_left3A_525 = arith.shli %get3A_469, %shift_left3A_524 : vector<16xi32>
        %lt3A_526 = arith.constant 0 : i32
        %lt3A_527 = vector.broadcast %lt3A_526 : i32 to vector<16xi32>
        %lt3A_528 = arith.cmpi slt, %shift_left3A_525, %lt3A_527 : vector<16xi32>
        %select_n3A_529 = arith.select %lt3A_528, %get3A_522, %broadcast_in_dim3A_31 : vector<16xi1>, vector<16xf32>
        %add3A_530 = arith.addf %add3A_515, %select_n3A_529 : vector<16xf32>
        %get3A_531 = arith.constant 7 : i32
        %get3A_532 = arith.index_cast %get3A_531 : i32 to index
        %get3A_533 = arith.index_cast %multiple_of3A_70 : i32 to index
        %get3A_534 = tpu.vector_load %arg6[%get3A_532, %get3A_533] {strides = array<i32>} : memref<16x512xi32, #tpu.memory_space<vmem>>, vector<1x16xi32>,
        %get3A_535 = vector.shape_cast %get3A_534 : vector<1x16xi32> to vector<16xi32>
        %add3A_536 = arith.addi %add3A_470, %get3A_535 : vector<16xi32>
        %add3A_537 = arith.constant 0 : i32
        %add3A_538 = arith.addi %multiple_of3A_67, %add3A_537 : i32
        %get3A_539 = arith.constant 7 : i32
        %get3A_540 = arith.index_cast %get3A_539 : i32 to index
        %get3A_541 = arith.index_cast %add3A_538 : i32 to index
        %get3A_542 = tpu.vector_load %arg5[%get3A_540, %get3A_541] {strides = array<i32>} : memref<16x2048xf32, #tpu.memory_space<vmem>>, vector<1x16xf32>,
        %get3A_543 = vector.shape_cast %get3A_542 : vector<1x16xf32> to vector<16xf32>
        %shift_left3A_544 = arith.constant 31 : i32
        %shift_left3A_545 = vector.broadcast %shift_left3A_544 : i32 to vector<16xi32>
        %shift_left3A_546 = arith.shli %get3A_535, %shift_left3A_545 : vector<16xi32>
        %lt3A_547 = arith.constant 0 : i32
        %lt3A_548 = vector.broadcast %lt3A_547 : i32 to vector<16xi32>
        %lt3A_549 = arith.cmpi slt, %shift_left3A_546, %lt3A_548 : vector<16xi32>
        %select_n3A_550 = arith.select %lt3A_549, %get3A_543, %broadcast_in_dim3A_31 : vector<16xi1>, vector<16xf32>
        %add3A_551 = arith.addf %add3A_530, %select_n3A_550 : vector<16xf32>
        %add3A_552 = arith.constant 16 : i32
        %add3A_553 = arith.addi %multiple_of3A_67, %add3A_552 : i32
        %get3A_554 = arith.constant 7 : i32
        %get3A_555 = arith.index_cast %get3A_554 : i32 to index
        %get3A_556 = arith.index_cast %add3A_553 : i32 to index
        %get3A_557 = tpu.vector_load %arg5[%get3A_555, %get3A_556] {strides = array<i32>} : memref<16x2048xf32, #tpu.memory_space<vmem>>, vector<1x16xf32>,
        %get3A_558 = vector.shape_cast %get3A_557 : vector<1x16xf32> to vector<16xf32>
        %shift_left3A_559 = arith.constant 23 : i32
        %shift_left3A_560 = vector.broadcast %shift_left3A_559 : i32 to vector<16xi32>
        %shift_left3A_561 = arith.shli %get3A_535, %shift_left3A_560 : vector<16xi32>
        %lt3A_562 = arith.constant 0 : i32
        %lt3A_563 = vector.broadcast %lt3A_562 : i32 to vector<16xi32>
        %lt3A_564 = arith.cmpi slt, %shift_left3A_561, %lt3A_563 : vector<16xi32>
        %select_n3A_565 = arith.select %lt3A_564, %get3A_558, %broadcast_in_dim3A_31 : vector<16xi1>, vector<16xf32>
        %add3A_566 = arith.addf %add3A_551, %select_n3A_565 : vector<16xf32>
        %add3A_567 = arith.constant 32 : i32
        %add3A_568 = arith.addi %multiple_of3A_67, %add3A_567 : i32
        %get3A_569 = arith.constant 7 : i32
        %get3A_570 = arith.index_cast %get3A_569 : i32 to index
        %get3A_571 = arith.index_cast %add3A_568 : i32 to index
        %get3A_572 = tpu.vector_load %arg5[%get3A_570, %get3A_571] {strides = array<i32>} : memref<16x2048xf32, #tpu.memory_space<vmem>>, vector<1x16xf32>,
        %get3A_573 = vector.shape_cast %get3A_572 : vector<1x16xf32> to vector<16xf32>
        %shift_left3A_574 = arith.constant 15 : i32
        %shift_left3A_575 = vector.broadcast %shift_left3A_574 : i32 to vector<16xi32>
        %shift_left3A_576 = arith.shli %get3A_535, %shift_left3A_575 : vector<16xi32>
        %lt3A_577 = arith.constant 0 : i32
        %lt3A_578 = vector.broadcast %lt3A_577 : i32 to vector<16xi32>
        %lt3A_579 = arith.cmpi slt, %shift_left3A_576, %lt3A_578 : vector<16xi32>
        %select_n3A_580 = arith.select %lt3A_579, %get3A_573, %broadcast_in_dim3A_31 : vector<16xi1>, vector<16xf32>
        %add3A_581 = arith.addf %add3A_566, %select_n3A_580 : vector<16xf32>
        %add3A_582 = arith.constant 48 : i32
        %add3A_583 = arith.addi %multiple_of3A_67, %add3A_582 : i32
        %get3A_584 = arith.constant 7 : i32
        %get3A_585 = arith.index_cast %get3A_584 : i32 to index
        %get3A_586 = arith.index_cast %add3A_583 : i32 to index
        %get3A_587 = tpu.vector_load %arg5[%get3A_585, %get3A_586] {strides = array<i32>} : memref<16x2048xf32, #tpu.memory_space<vmem>>, vector<1x16xf32>,
        %get3A_588 = vector.shape_cast %get3A_587 : vector<1x16xf32> to vector<16xf32>
        %shift_left3A_589 = arith.constant 7 : i32
        %shift_left3A_590 = vector.broadcast %shift_left3A_589 : i32 to vector<16xi32>
        %shift_left3A_591 = arith.shli %get3A_535, %shift_left3A_590 : vector<16xi32>
        %lt3A_592 = arith.constant 0 : i32
        %lt3A_593 = vector.broadcast %lt3A_592 : i32 to vector<16xi32>
        %lt3A_594 = arith.cmpi slt, %shift_left3A_591, %lt3A_593 : vector<16xi32>
        %select_n3A_595 = arith.select %lt3A_594, %get3A_588, %broadcast_in_dim3A_31 : vector<16xi1>, vector<16xf32>
        %add3A_596 = arith.addf %add3A_581, %select_n3A_595 : vector<16xf32>
        %get3A_597 = arith.constant 8 : i32
        %get3A_598 = arith.index_cast %get3A_597 : i32 to index
        %get3A_599 = arith.index_cast %multiple_of3A_70 : i32 to index
        %get3A_600 = tpu.vector_load %arg6[%get3A_598, %get3A_599] {strides = array<i32>} : memref<16x512xi32, #tpu.memory_space<vmem>>, vector<1x16xi32>,
        %get3A_601 = vector.shape_cast %get3A_600 : vector<1x16xi32> to vector<16xi32>
        %add3A_602 = arith.addi %add3A_536, %get3A_601 : vector<16xi32>
        %add3A_603 = arith.constant 0 : i32
        %add3A_604 = arith.addi %multiple_of3A_67, %add3A_603 : i32
        %get3A_605 = arith.constant 8 : i32
        %get3A_606 = arith.index_cast %get3A_605 : i32 to index
        %get3A_607 = arith.index_cast %add3A_604 : i32 to index
        %get3A_608 = tpu.vector_load %arg5[%get3A_606, %get3A_607] {strides = array<i32>} : memref<16x2048xf32, #tpu.memory_space<vmem>>, vector<1x16xf32>,
        %get3A_609 = vector.shape_cast %get3A_608 : vector<1x16xf32> to vector<16xf32>
        %shift_left3A_610 = arith.constant 31 : i32
        %shift_left3A_611 = vector.broadcast %shift_left3A_610 : i32 to vector<16xi32>
        %shift_left3A_612 = arith.shli %get3A_601, %shift_left3A_611 : vector<16xi32>
        %lt3A_613 = arith.constant 0 : i32
        %lt3A_614 = vector.broadcast %lt3A_613 : i32 to vector<16xi32>
        %lt3A_615 = arith.cmpi slt, %shift_left3A_612, %lt3A_614 : vector<16xi32>
        %select_n3A_616 = arith.select %lt3A_615, %get3A_609, %broadcast_in_dim3A_31 : vector<16xi1>, vector<16xf32>
        %add3A_617 = arith.addf %add3A_596, %select_n3A_616 : vector<16xf32>
        %add3A_618 = arith.constant 16 : i32
        %add3A_619 = arith.addi %multiple_of3A_67, %add3A_618 : i32
        %get3A_620 = arith.constant 8 : i32
        %get3A_621 = arith.index_cast %get3A_620 : i32 to index
        %get3A_622 = arith.index_cast %add3A_619 : i32 to index
        %get3A_623 = tpu.vector_load %arg5[%get3A_621, %get3A_622] {strides = array<i32>} : memref<16x2048xf32, #tpu.memory_space<vmem>>, vector<1x16xf32>,
        %get3A_624 = vector.shape_cast %get3A_623 : vector<1x16xf32> to vector<16xf32>
        %shift_left3A_625 = arith.constant 23 : i32
        %shift_left3A_626 = vector.broadcast %shift_left3A_625 : i32 to vector<16xi32>
        %shift_left3A_627 = arith.shli %get3A_601, %shift_left3A_626 : vector<16xi32>
        %lt3A_628 = arith.constant 0 : i32
        %lt3A_629 = vector.broadcast %lt3A_628 : i32 to vector<16xi32>
        %lt3A_630 = arith.cmpi slt, %shift_left3A_627, %lt3A_629 : vector<16xi32>
        %select_n3A_631 = arith.select %lt3A_630, %get3A_624, %broadcast_in_dim3A_31 : vector<16xi1>, vector<16xf32>
        %add3A_632 = arith.addf %add3A_617, %select_n3A_631 : vector<16xf32>
        %add3A_633 = arith.constant 32 : i32
        %add3A_634 = arith.addi %multiple_of3A_67, %add3A_633 : i32
        %get3A_635 = arith.constant 8 : i32
        %get3A_636 = arith.index_cast %get3A_635 : i32 to index
        %get3A_637 = arith.index_cast %add3A_634 : i32 to index
        %get3A_638 = tpu.vector_load %arg5[%get3A_636, %get3A_637] {strides = array<i32>} : memref<16x2048xf32, #tpu.memory_space<vmem>>, vector<1x16xf32>,
        %get3A_639 = vector.shape_cast %get3A_638 : vector<1x16xf32> to vector<16xf32>
        %shift_left3A_640 = arith.constant 15 : i32
        %shift_left3A_641 = vector.broadcast %shift_left3A_640 : i32 to vector<16xi32>
        %shift_left3A_642 = arith.shli %get3A_601, %shift_left3A_641 : vector<16xi32>
        %lt3A_643 = arith.constant 0 : i32
        %lt3A_644 = vector.broadcast %lt3A_643 : i32 to vector<16xi32>
        %lt3A_645 = arith.cmpi slt, %shift_left3A_642, %lt3A_644 : vector<16xi32>
        %select_n3A_646 = arith.select %lt3A_645, %get3A_639, %broadcast_in_dim3A_31 : vector<16xi1>, vector<16xf32>
        %add3A_647 = arith.addf %add3A_632, %select_n3A_646 : vector<16xf32>
        %add3A_648 = arith.constant 48 : i32
        %add3A_649 = arith.addi %multiple_of3A_67, %add3A_648 : i32
        %get3A_650 = arith.constant 8 : i32
        %get3A_651 = arith.index_cast %get3A_650 : i32 to index
        %get3A_652 = arith.index_cast %add3A_649 : i32 to index
        %get3A_653 = tpu.vector_load %arg5[%get3A_651, %get3A_652] {strides = array<i32>} : memref<16x2048xf32, #tpu.memory_space<vmem>>, vector<1x16xf32>,
        %get3A_654 = vector.shape_cast %get3A_653 : vector<1x16xf32> to vector<16xf32>
        %shift_left3A_655 = arith.constant 7 : i32
        %shift_left3A_656 = vector.broadcast %shift_left3A_655 : i32 to vector<16xi32>
        %shift_left3A_657 = arith.shli %get3A_601, %shift_left3A_656 : vector<16xi32>
        %lt3A_658 = arith.constant 0 : i32
        %lt3A_659 = vector.broadcast %lt3A_658 : i32 to vector<16xi32>
        %lt3A_660 = arith.cmpi slt, %shift_left3A_657, %lt3A_659 : vector<16xi32>
        %select_n3A_661 = arith.select %lt3A_660, %get3A_654, %broadcast_in_dim3A_31 : vector<16xi1>, vector<16xf32>
        %add3A_662 = arith.addf %add3A_647, %select_n3A_661 : vector<16xf32>
        %get3A_663 = arith.constant 9 : i32
        %get3A_664 = arith.index_cast %get3A_663 : i32 to index
        %get3A_665 = arith.index_cast %multiple_of3A_70 : i32 to index
        %get3A_666 = tpu.vector_load %arg6[%get3A_664, %get3A_665] {strides = array<i32>} : memref<16x512xi32, #tpu.memory_space<vmem>>, vector<1x16xi32>,
        %get3A_667 = vector.shape_cast %get3A_666 : vector<1x16xi32> to vector<16xi32>
        %add3A_668 = arith.addi %add3A_602, %get3A_667 : vector<16xi32>
        %add3A_669 = arith.constant 0 : i32
        %add3A_670 = arith.addi %multiple_of3A_67, %add3A_669 : i32
        %get3A_671 = arith.constant 9 : i32
        %get3A_672 = arith.index_cast %get3A_671 : i32 to index
        %get3A_673 = arith.index_cast %add3A_670 : i32 to index
        %get3A_674 = tpu.vector_load %arg5[%get3A_672, %get3A_673] {strides = array<i32>} : memref<16x2048xf32, #tpu.memory_space<vmem>>, vector<1x16xf32>,
        %get3A_675 = vector.shape_cast %get3A_674 : vector<1x16xf32> to vector<16xf32>
        %shift_left3A_676 = arith.constant 31 : i32
        %shift_left3A_677 = vector.broadcast %shift_left3A_676 : i32 to vector<16xi32>
        %shift_left3A_678 = arith.shli %get3A_667, %shift_left3A_677 : vector<16xi32>
        %lt3A_679 = arith.constant 0 : i32
        %lt3A_680 = vector.broadcast %lt3A_679 : i32 to vector<16xi32>
        %lt3A_681 = arith.cmpi slt, %shift_left3A_678, %lt3A_680 : vector<16xi32>
        %select_n3A_682 = arith.select %lt3A_681, %get3A_675, %broadcast_in_dim3A_31 : vector<16xi1>, vector<16xf32>
        %add3A_683 = arith.addf %add3A_662, %select_n3A_682 : vector<16xf32>
        %add3A_684 = arith.constant 16 : i32
        %add3A_685 = arith.addi %multiple_of3A_67, %add3A_684 : i32
        %get3A_686 = arith.constant 9 : i32
        %get3A_687 = arith.index_cast %get3A_686 : i32 to index
        %get3A_688 = arith.index_cast %add3A_685 : i32 to index
        %get3A_689 = tpu.vector_load %arg5[%get3A_687, %get3A_688] {strides = array<i32>} : memref<16x2048xf32, #tpu.memory_space<vmem>>, vector<1x16xf32>,
        %get3A_690 = vector.shape_cast %get3A_689 : vector<1x16xf32> to vector<16xf32>
        %shift_left3A_691 = arith.constant 23 : i32
        %shift_left3A_692 = vector.broadcast %shift_left3A_691 : i32 to vector<16xi32>
        %shift_left3A_693 = arith.shli %get3A_667, %shift_left3A_692 : vector<16xi32>
        %lt3A_694 = arith.constant 0 : i32
        %lt3A_695 = vector.broadcast %lt3A_694 : i32 to vector<16xi32>
        %lt3A_696 = arith.cmpi slt, %shift_left3A_693, %lt3A_695 : vector<16xi32>
        %select_n3A_697 = arith.select %lt3A_696, %get3A_690, %broadcast_in_dim3A_31 : vector<16xi1>, vector<16xf32>
        %add3A_698 = arith.addf %add3A_683, %select_n3A_697 : vector<16xf32>
        %add3A_699 = arith.constant 32 : i32
        %add3A_700 = arith.addi %multiple_of3A_67, %add3A_699 : i32
        %get3A_701 = arith.constant 9 : i32
        %get3A_702 = arith.index_cast %get3A_701 : i32 to index
        %get3A_703 = arith.index_cast %add3A_700 : i32 to index
        %get3A_704 = tpu.vector_load %arg5[%get3A_702, %get3A_703] {strides = array<i32>} : memref<16x2048xf32, #tpu.memory_space<vmem>>, vector<1x16xf32>,
        %get3A_705 = vector.shape_cast %get3A_704 : vector<1x16xf32> to vector<16xf32>
        %shift_left3A_706 = arith.constant 15 : i32
        %shift_left3A_707 = vector.broadcast %shift_left3A_706 : i32 to vector<16xi32>
        %shift_left3A_708 = arith.shli %get3A_667, %shift_left3A_707 : vector<16xi32>
        %lt3A_709 = arith.constant 0 : i32
        %lt3A_710 = vector.broadcast %lt3A_709 : i32 to vector<16xi32>
        %lt3A_711 = arith.cmpi slt, %shift_left3A_708, %lt3A_710 : vector<16xi32>
        %select_n3A_712 = arith.select %lt3A_711, %get3A_705, %broadcast_in_dim3A_31 : vector<16xi1>, vector<16xf32>
        %add3A_713 = arith.addf %add3A_698, %select_n3A_712 : vector<16xf32>
        %add3A_714 = arith.constant 48 : i32
        %add3A_715 = arith.addi %multiple_of3A_67, %add3A_714 : i32
        %get3A_716 = arith.constant 9 : i32
        %get3A_717 = arith.index_cast %get3A_716 : i32 to index
        %get3A_718 = arith.index_cast %add3A_715 : i32 to index
        %get3A_719 = tpu.vector_load %arg5[%get3A_717, %get3A_718] {strides = array<i32>} : memref<16x2048xf32, #tpu.memory_space<vmem>>, vector<1x16xf32>,
        %get3A_720 = vector.shape_cast %get3A_719 : vector<1x16xf32> to vector<16xf32>
        %shift_left3A_721 = arith.constant 7 : i32
        %shift_left3A_722 = vector.broadcast %shift_left3A_721 : i32 to vector<16xi32>
        %shift_left3A_723 = arith.shli %get3A_667, %shift_left3A_722 : vector<16xi32>
        %lt3A_724 = arith.constant 0 : i32
        %lt3A_725 = vector.broadcast %lt3A_724 : i32 to vector<16xi32>
        %lt3A_726 = arith.cmpi slt, %shift_left3A_723, %lt3A_725 : vector<16xi32>
        %select_n3A_727 = arith.select %lt3A_726, %get3A_720, %broadcast_in_dim3A_31 : vector<16xi1>, vector<16xf32>
        %add3A_728 = arith.addf %add3A_713, %select_n3A_727 : vector<16xf32>
        %get3A_729 = arith.constant 10 : i32
        %get3A_730 = arith.index_cast %get3A_729 : i32 to index
        %get3A_731 = arith.index_cast %multiple_of3A_70 : i32 to index
        %get3A_732 = tpu.vector_load %arg6[%get3A_730, %get3A_731] {strides = array<i32>} : memref<16x512xi32, #tpu.memory_space<vmem>>, vector<1x16xi32>,
        %get3A_733 = vector.shape_cast %get3A_732 : vector<1x16xi32> to vector<16xi32>
        %add3A_734 = arith.addi %add3A_668, %get3A_733 : vector<16xi32>
        %add3A_735 = arith.constant 0 : i32
        %add3A_736 = arith.addi %multiple_of3A_67, %add3A_735 : i32
        %get3A_737 = arith.constant 10 : i32
        %get3A_738 = arith.index_cast %get3A_737 : i32 to index
        %get3A_739 = arith.index_cast %add3A_736 : i32 to index
        %get3A_740 = tpu.vector_load %arg5[%get3A_738, %get3A_739] {strides = array<i32>} : memref<16x2048xf32, #tpu.memory_space<vmem>>, vector<1x16xf32>,
        %get3A_741 = vector.shape_cast %get3A_740 : vector<1x16xf32> to vector<16xf32>
        %shift_left3A_742 = arith.constant 31 : i32
        %shift_left3A_743 = vector.broadcast %shift_left3A_742 : i32 to vector<16xi32>
        %shift_left3A_744 = arith.shli %get3A_733, %shift_left3A_743 : vector<16xi32>
        %lt3A_745 = arith.constant 0 : i32
        %lt3A_746 = vector.broadcast %lt3A_745 : i32 to vector<16xi32>
        %lt3A_747 = arith.cmpi slt, %shift_left3A_744, %lt3A_746 : vector<16xi32>
        %select_n3A_748 = arith.select %lt3A_747, %get3A_741, %broadcast_in_dim3A_31 : vector<16xi1>, vector<16xf32>
        %add3A_749 = arith.addf %add3A_728, %select_n3A_748 : vector<16xf32>
        %add3A_750 = arith.constant 16 : i32
        %add3A_751 = arith.addi %multiple_of3A_67, %add3A_750 : i32
        %get3A_752 = arith.constant 10 : i32
        %get3A_753 = arith.index_cast %get3A_752 : i32 to index
        %get3A_754 = arith.index_cast %add3A_751 : i32 to index
        %get3A_755 = tpu.vector_load %arg5[%get3A_753, %get3A_754] {strides = array<i32>} : memref<16x2048xf32, #tpu.memory_space<vmem>>, vector<1x16xf32>,
        %get3A_756 = vector.shape_cast %get3A_755 : vector<1x16xf32> to vector<16xf32>
        %shift_left3A_757 = arith.constant 23 : i32
        %shift_left3A_758 = vector.broadcast %shift_left3A_757 : i32 to vector<16xi32>
        %shift_left3A_759 = arith.shli %get3A_733, %shift_left3A_758 : vector<16xi32>
        %lt3A_760 = arith.constant 0 : i32
        %lt3A_761 = vector.broadcast %lt3A_760 : i32 to vector<16xi32>
        %lt3A_762 = arith.cmpi slt, %shift_left3A_759, %lt3A_761 : vector<16xi32>
        %select_n3A_763 = arith.select %lt3A_762, %get3A_756, %broadcast_in_dim3A_31 : vector<16xi1>, vector<16xf32>
        %add3A_764 = arith.addf %add3A_749, %select_n3A_763 : vector<16xf32>
        %add3A_765 = arith.constant 32 : i32
        %add3A_766 = arith.addi %multiple_of3A_67, %add3A_765 : i32
        %get3A_767 = arith.constant 10 : i32
        %get3A_768 = arith.index_cast %get3A_767 : i32 to index
        %get3A_769 = arith.index_cast %add3A_766 : i32 to index
        %get3A_770 = tpu.vector_load %arg5[%get3A_768, %get3A_769] {strides = array<i32>} : memref<16x2048xf32, #tpu.memory_space<vmem>>, vector<1x16xf32>,
        %get3A_771 = vector.shape_cast %get3A_770 : vector<1x16xf32> to vector<16xf32>
        %shift_left3A_772 = arith.constant 15 : i32
        %shift_left3A_773 = vector.broadcast %shift_left3A_772 : i32 to vector<16xi32>
        %shift_left3A_774 = arith.shli %get3A_733, %shift_left3A_773 : vector<16xi32>
        %lt3A_775 = arith.constant 0 : i32
        %lt3A_776 = vector.broadcast %lt3A_775 : i32 to vector<16xi32>
        %lt3A_777 = arith.cmpi slt, %shift_left3A_774, %lt3A_776 : vector<16xi32>
        %select_n3A_778 = arith.select %lt3A_777, %get3A_771, %broadcast_in_dim3A_31 : vector<16xi1>, vector<16xf32>
        %add3A_779 = arith.addf %add3A_764, %select_n3A_778 : vector<16xf32>
        %add3A_780 = arith.constant 48 : i32
        %add3A_781 = arith.addi %multiple_of3A_67, %add3A_780 : i32
        %get3A_782 = arith.constant 10 : i32
        %get3A_783 = arith.index_cast %get3A_782 : i32 to index
        %get3A_784 = arith.index_cast %add3A_781 : i32 to index
        %get3A_785 = tpu.vector_load %arg5[%get3A_783, %get3A_784] {strides = array<i32>} : memref<16x2048xf32, #tpu.memory_space<vmem>>, vector<1x16xf32>,
        %get3A_786 = vector.shape_cast %get3A_785 : vector<1x16xf32> to vector<16xf32>
        %shift_left3A_787 = arith.constant 7 : i32
        %shift_left3A_788 = vector.broadcast %shift_left3A_787 : i32 to vector<16xi32>
        %shift_left3A_789 = arith.shli %get3A_733, %shift_left3A_788 : vector<16xi32>
        %lt3A_790 = arith.constant 0 : i32
        %lt3A_791 = vector.broadcast %lt3A_790 : i32 to vector<16xi32>
        %lt3A_792 = arith.cmpi slt, %shift_left3A_789, %lt3A_791 : vector<16xi32>
        %select_n3A_793 = arith.select %lt3A_792, %get3A_786, %broadcast_in_dim3A_31 : vector<16xi1>, vector<16xf32>
        %add3A_794 = arith.addf %add3A_779, %select_n3A_793 : vector<16xf32>
        %get3A_795 = arith.constant 11 : i32
        %get3A_796 = arith.index_cast %get3A_795 : i32 to index
        %get3A_797 = arith.index_cast %multiple_of3A_70 : i32 to index
        %get3A_798 = tpu.vector_load %arg6[%get3A_796, %get3A_797] {strides = array<i32>} : memref<16x512xi32, #tpu.memory_space<vmem>>, vector<1x16xi32>,
        %get3A_799 = vector.shape_cast %get3A_798 : vector<1x16xi32> to vector<16xi32>
        %add3A_800 = arith.addi %add3A_734, %get3A_799 : vector<16xi32>
        %add3A_801 = arith.constant 0 : i32
        %add3A_802 = arith.addi %multiple_of3A_67, %add3A_801 : i32
        %get3A_803 = arith.constant 11 : i32
        %get3A_804 = arith.index_cast %get3A_803 : i32 to index
        %get3A_805 = arith.index_cast %add3A_802 : i32 to index
        %get3A_806 = tpu.vector_load %arg5[%get3A_804, %get3A_805] {strides = array<i32>} : memref<16x2048xf32, #tpu.memory_space<vmem>>, vector<1x16xf32>,
        %get3A_807 = vector.shape_cast %get3A_806 : vector<1x16xf32> to vector<16xf32>
        %shift_left3A_808 = arith.constant 31 : i32
        %shift_left3A_809 = vector.broadcast %shift_left3A_808 : i32 to vector<16xi32>
        %shift_left3A_810 = arith.shli %get3A_799, %shift_left3A_809 : vector<16xi32>
        %lt3A_811 = arith.constant 0 : i32
        %lt3A_812 = vector.broadcast %lt3A_811 : i32 to vector<16xi32>
        %lt3A_813 = arith.cmpi slt, %shift_left3A_810, %lt3A_812 : vector<16xi32>
        %select_n3A_814 = arith.select %lt3A_813, %get3A_807, %broadcast_in_dim3A_31 : vector<16xi1>, vector<16xf32>
        %add3A_815 = arith.addf %add3A_794, %select_n3A_814 : vector<16xf32>
        %add3A_816 = arith.constant 16 : i32
        %add3A_817 = arith.addi %multiple_of3A_67, %add3A_816 : i32
        %get3A_818 = arith.constant 11 : i32
        %get3A_819 = arith.index_cast %get3A_818 : i32 to index
        %get3A_820 = arith.index_cast %add3A_817 : i32 to index
        %get3A_821 = tpu.vector_load %arg5[%get3A_819, %get3A_820] {strides = array<i32>} : memref<16x2048xf32, #tpu.memory_space<vmem>>, vector<1x16xf32>,
        %get3A_822 = vector.shape_cast %get3A_821 : vector<1x16xf32> to vector<16xf32>
        %shift_left3A_823 = arith.constant 23 : i32
        %shift_left3A_824 = vector.broadcast %shift_left3A_823 : i32 to vector<16xi32>
        %shift_left3A_825 = arith.shli %get3A_799, %shift_left3A_824 : vector<16xi32>
        %lt3A_826 = arith.constant 0 : i32
        %lt3A_827 = vector.broadcast %lt3A_826 : i32 to vector<16xi32>
        %lt3A_828 = arith.cmpi slt, %shift_left3A_825, %lt3A_827 : vector<16xi32>
        %select_n3A_829 = arith.select %lt3A_828, %get3A_822, %broadcast_in_dim3A_31 : vector<16xi1>, vector<16xf32>
        %add3A_830 = arith.addf %add3A_815, %select_n3A_829 : vector<16xf32>
        %add3A_831 = arith.constant 32 : i32
        %add3A_832 = arith.addi %multiple_of3A_67, %add3A_831 : i32
        %get3A_833 = arith.constant 11 : i32
        %get3A_834 = arith.index_cast %get3A_833 : i32 to index
        %get3A_835 = arith.index_cast %add3A_832 : i32 to index
        %get3A_836 = tpu.vector_load %arg5[%get3A_834, %get3A_835] {strides = array<i32>} : memref<16x2048xf32, #tpu.memory_space<vmem>>, vector<1x16xf32>,
        %get3A_837 = vector.shape_cast %get3A_836 : vector<1x16xf32> to vector<16xf32>
        %shift_left3A_838 = arith.constant 15 : i32
        %shift_left3A_839 = vector.broadcast %shift_left3A_838 : i32 to vector<16xi32>
        %shift_left3A_840 = arith.shli %get3A_799, %shift_left3A_839 : vector<16xi32>
        %lt3A_841 = arith.constant 0 : i32
        %lt3A_842 = vector.broadcast %lt3A_841 : i32 to vector<16xi32>
        %lt3A_843 = arith.cmpi slt, %shift_left3A_840, %lt3A_842 : vector<16xi32>
        %select_n3A_844 = arith.select %lt3A_843, %get3A_837, %broadcast_in_dim3A_31 : vector<16xi1>, vector<16xf32>
        %add3A_845 = arith.addf %add3A_830, %select_n3A_844 : vector<16xf32>
        %add3A_846 = arith.constant 48 : i32
        %add3A_847 = arith.addi %multiple_of3A_67, %add3A_846 : i32
        %get3A_848 = arith.constant 11 : i32
        %get3A_849 = arith.index_cast %get3A_848 : i32 to index
        %get3A_850 = arith.index_cast %add3A_847 : i32 to index
        %get3A_851 = tpu.vector_load %arg5[%get3A_849, %get3A_850] {strides = array<i32>} : memref<16x2048xf32, #tpu.memory_space<vmem>>, vector<1x16xf32>,
        %get3A_852 = vector.shape_cast %get3A_851 : vector<1x16xf32> to vector<16xf32>
        %shift_left3A_853 = arith.constant 7 : i32
        %shift_left3A_854 = vector.broadcast %shift_left3A_853 : i32 to vector<16xi32>
        %shift_left3A_855 = arith.shli %get3A_799, %shift_left3A_854 : vector<16xi32>
        %lt3A_856 = arith.constant 0 : i32
        %lt3A_857 = vector.broadcast %lt3A_856 : i32 to vector<16xi32>
        %lt3A_858 = arith.cmpi slt, %shift_left3A_855, %lt3A_857 : vector<16xi32>
        %select_n3A_859 = arith.select %lt3A_858, %get3A_852, %broadcast_in_dim3A_31 : vector<16xi1>, vector<16xf32>
        %add3A_860 = arith.addf %add3A_845, %select_n3A_859 : vector<16xf32>
        %get3A_861 = arith.constant 12 : i32
        %get3A_862 = arith.index_cast %get3A_861 : i32 to index
        %get3A_863 = arith.index_cast %multiple_of3A_70 : i32 to index
        %get3A_864 = tpu.vector_load %arg6[%get3A_862, %get3A_863] {strides = array<i32>} : memref<16x512xi32, #tpu.memory_space<vmem>>, vector<1x16xi32>,
        %get3A_865 = vector.shape_cast %get3A_864 : vector<1x16xi32> to vector<16xi32>
        %add3A_866 = arith.addi %add3A_800, %get3A_865 : vector<16xi32>
        %add3A_867 = arith.constant 0 : i32
        %add3A_868 = arith.addi %multiple_of3A_67, %add3A_867 : i32
        %get3A_869 = arith.constant 12 : i32
        %get3A_870 = arith.index_cast %get3A_869 : i32 to index
        %get3A_871 = arith.index_cast %add3A_868 : i32 to index
        %get3A_872 = tpu.vector_load %arg5[%get3A_870, %get3A_871] {strides = array<i32>} : memref<16x2048xf32, #tpu.memory_space<vmem>>, vector<1x16xf32>,
        %get3A_873 = vector.shape_cast %get3A_872 : vector<1x16xf32> to vector<16xf32>
        %shift_left3A_874 = arith.constant 31 : i32
        %shift_left3A_875 = vector.broadcast %shift_left3A_874 : i32 to vector<16xi32>
        %shift_left3A_876 = arith.shli %get3A_865, %shift_left3A_875 : vector<16xi32>
        %lt3A_877 = arith.constant 0 : i32
        %lt3A_878 = vector.broadcast %lt3A_877 : i32 to vector<16xi32>
        %lt3A_879 = arith.cmpi slt, %shift_left3A_876, %lt3A_878 : vector<16xi32>
        %select_n3A_880 = arith.select %lt3A_879, %get3A_873, %broadcast_in_dim3A_31 : vector<16xi1>, vector<16xf32>
        %add3A_881 = arith.addf %add3A_860, %select_n3A_880 : vector<16xf32>
        %add3A_882 = arith.constant 16 : i32
        %add3A_883 = arith.addi %multiple_of3A_67, %add3A_882 : i32
        %get3A_884 = arith.constant 12 : i32
        %get3A_885 = arith.index_cast %get3A_884 : i32 to index
        %get3A_886 = arith.index_cast %add3A_883 : i32 to index
        %get3A_887 = tpu.vector_load %arg5[%get3A_885, %get3A_886] {strides = array<i32>} : memref<16x2048xf32, #tpu.memory_space<vmem>>, vector<1x16xf32>,
        %get3A_888 = vector.shape_cast %get3A_887 : vector<1x16xf32> to vector<16xf32>
        %shift_left3A_889 = arith.constant 23 : i32
        %shift_left3A_890 = vector.broadcast %shift_left3A_889 : i32 to vector<16xi32>
        %shift_left3A_891 = arith.shli %get3A_865, %shift_left3A_890 : vector<16xi32>
        %lt3A_892 = arith.constant 0 : i32
        %lt3A_893 = vector.broadcast %lt3A_892 : i32 to vector<16xi32>
        %lt3A_894 = arith.cmpi slt, %shift_left3A_891, %lt3A_893 : vector<16xi32>
        %select_n3A_895 = arith.select %lt3A_894, %get3A_888, %broadcast_in_dim3A_31 : vector<16xi1>, vector<16xf32>
        %add3A_896 = arith.addf %add3A_881, %select_n3A_895 : vector<16xf32>
        %add3A_897 = arith.constant 32 : i32
        %add3A_898 = arith.addi %multiple_of3A_67, %add3A_897 : i32
        %get3A_899 = arith.constant 12 : i32
        %get3A_900 = arith.index_cast %get3A_899 : i32 to index
        %get3A_901 = arith.index_cast %add3A_898 : i32 to index
        %get3A_902 = tpu.vector_load %arg5[%get3A_900, %get3A_901] {strides = array<i32>} : memref<16x2048xf32, #tpu.memory_space<vmem>>, vector<1x16xf32>,
        %get3A_903 = vector.shape_cast %get3A_902 : vector<1x16xf32> to vector<16xf32>
        %shift_left3A_904 = arith.constant 15 : i32
        %shift_left3A_905 = vector.broadcast %shift_left3A_904 : i32 to vector<16xi32>
        %shift_left3A_906 = arith.shli %get3A_865, %shift_left3A_905 : vector<16xi32>
        %lt3A_907 = arith.constant 0 : i32
        %lt3A_908 = vector.broadcast %lt3A_907 : i32 to vector<16xi32>
        %lt3A_909 = arith.cmpi slt, %shift_left3A_906, %lt3A_908 : vector<16xi32>
        %select_n3A_910 = arith.select %lt3A_909, %get3A_903, %broadcast_in_dim3A_31 : vector<16xi1>, vector<16xf32>
        %add3A_911 = arith.addf %add3A_896, %select_n3A_910 : vector<16xf32>
        %add3A_912 = arith.constant 48 : i32
        %add3A_913 = arith.addi %multiple_of3A_67, %add3A_912 : i32
        %get3A_914 = arith.constant 12 : i32
        %get3A_915 = arith.index_cast %get3A_914 : i32 to index
        %get3A_916 = arith.index_cast %add3A_913 : i32 to index
        %get3A_917 = tpu.vector_load %arg5[%get3A_915, %get3A_916] {strides = array<i32>} : memref<16x2048xf32, #tpu.memory_space<vmem>>, vector<1x16xf32>,
        %get3A_918 = vector.shape_cast %get3A_917 : vector<1x16xf32> to vector<16xf32>
        %shift_left3A_919 = arith.constant 7 : i32
        %shift_left3A_920 = vector.broadcast %shift_left3A_919 : i32 to vector<16xi32>
        %shift_left3A_921 = arith.shli %get3A_865, %shift_left3A_920 : vector<16xi32>
        %lt3A_922 = arith.constant 0 : i32
        %lt3A_923 = vector.broadcast %lt3A_922 : i32 to vector<16xi32>
        %lt3A_924 = arith.cmpi slt, %shift_left3A_921, %lt3A_923 : vector<16xi32>
        %select_n3A_925 = arith.select %lt3A_924, %get3A_918, %broadcast_in_dim3A_31 : vector<16xi1>, vector<16xf32>
        %add3A_926 = arith.addf %add3A_911, %select_n3A_925 : vector<16xf32>
        %get3A_927 = arith.constant 13 : i32
        %get3A_928 = arith.index_cast %get3A_927 : i32 to index
        %get3A_929 = arith.index_cast %multiple_of3A_70 : i32 to index
        %get3A_930 = tpu.vector_load %arg6[%get3A_928, %get3A_929] {strides = array<i32>} : memref<16x512xi32, #tpu.memory_space<vmem>>, vector<1x16xi32>,
        %get3A_931 = vector.shape_cast %get3A_930 : vector<1x16xi32> to vector<16xi32>
        %add3A_932 = arith.addi %add3A_866, %get3A_931 : vector<16xi32>
        %add3A_933 = arith.constant 0 : i32
        %add3A_934 = arith.addi %multiple_of3A_67, %add3A_933 : i32
        %get3A_935 = arith.constant 13 : i32
        %get3A_936 = arith.index_cast %get3A_935 : i32 to index
        %get3A_937 = arith.index_cast %add3A_934 : i32 to index
        %get3A_938 = tpu.vector_load %arg5[%get3A_936, %get3A_937] {strides = array<i32>} : memref<16x2048xf32, #tpu.memory_space<vmem>>, vector<1x16xf32>,
        %get3A_939 = vector.shape_cast %get3A_938 : vector<1x16xf32> to vector<16xf32>
        %shift_left3A_940 = arith.constant 31 : i32
        %shift_left3A_941 = vector.broadcast %shift_left3A_940 : i32 to vector<16xi32>
        %shift_left3A_942 = arith.shli %get3A_931, %shift_left3A_941 : vector<16xi32>
        %lt3A_943 = arith.constant 0 : i32
        %lt3A_944 = vector.broadcast %lt3A_943 : i32 to vector<16xi32>
        %lt3A_945 = arith.cmpi slt, %shift_left3A_942, %lt3A_944 : vector<16xi32>
        %select_n3A_946 = arith.select %lt3A_945, %get3A_939, %broadcast_in_dim3A_31 : vector<16xi1>, vector<16xf32>
        %add3A_947 = arith.addf %add3A_926, %select_n3A_946 : vector<16xf32>
        %add3A_948 = arith.constant 16 : i32
        %add3A_949 = arith.addi %multiple_of3A_67, %add3A_948 : i32
        %get3A_950 = arith.constant 13 : i32
        %get3A_951 = arith.index_cast %get3A_950 : i32 to index
        %get3A_952 = arith.index_cast %add3A_949 : i32 to index
        %get3A_953 = tpu.vector_load %arg5[%get3A_951, %get3A_952] {strides = array<i32>} : memref<16x2048xf32, #tpu.memory_space<vmem>>, vector<1x16xf32>,
        %get3A_954 = vector.shape_cast %get3A_953 : vector<1x16xf32> to vector<16xf32>
        %shift_left3A_955 = arith.constant 23 : i32
        %shift_left3A_956 = vector.broadcast %shift_left3A_955 : i32 to vector<16xi32>
        %shift_left3A_957 = arith.shli %get3A_931, %shift_left3A_956 : vector<16xi32>
        %lt3A_958 = arith.constant 0 : i32
        %lt3A_959 = vector.broadcast %lt3A_958 : i32 to vector<16xi32>
        %lt3A_960 = arith.cmpi slt, %shift_left3A_957, %lt3A_959 : vector<16xi32>
        %select_n3A_961 = arith.select %lt3A_960, %get3A_954, %broadcast_in_dim3A_31 : vector<16xi1>, vector<16xf32>
        %add3A_962 = arith.addf %add3A_947, %select_n3A_961 : vector<16xf32>
        %add3A_963 = arith.constant 32 : i32
        %add3A_964 = arith.addi %multiple_of3A_67, %add3A_963 : i32
        %get3A_965 = arith.constant 13 : i32
        %get3A_966 = arith.index_cast %get3A_965 : i32 to index
        %get3A_967 = arith.index_cast %add3A_964 : i32 to index
        %get3A_968 = tpu.vector_load %arg5[%get3A_966, %get3A_967] {strides = array<i32>} : memref<16x2048xf32, #tpu.memory_space<vmem>>, vector<1x16xf32>,
        %get3A_969 = vector.shape_cast %get3A_968 : vector<1x16xf32> to vector<16xf32>
        %shift_left3A_970 = arith.constant 15 : i32
        %shift_left3A_971 = vector.broadcast %shift_left3A_970 : i32 to vector<16xi32>
        %shift_left3A_972 = arith.shli %get3A_931, %shift_left3A_971 : vector<16xi32>
        %lt3A_973 = arith.constant 0 : i32
        %lt3A_974 = vector.broadcast %lt3A_973 : i32 to vector<16xi32>
        %lt3A_975 = arith.cmpi slt, %shift_left3A_972, %lt3A_974 : vector<16xi32>
        %select_n3A_976 = arith.select %lt3A_975, %get3A_969, %broadcast_in_dim3A_31 : vector<16xi1>, vector<16xf32>
        %add3A_977 = arith.addf %add3A_962, %select_n3A_976 : vector<16xf32>
        %add3A_978 = arith.constant 48 : i32
        %add3A_979 = arith.addi %multiple_of3A_67, %add3A_978 : i32
        %get3A_980 = arith.constant 13 : i32
        %get3A_981 = arith.index_cast %get3A_980 : i32 to index
        %get3A_982 = arith.index_cast %add3A_979 : i32 to index
        %get3A_983 = tpu.vector_load %arg5[%get3A_981, %get3A_982] {strides = array<i32>} : memref<16x2048xf32, #tpu.memory_space<vmem>>, vector<1x16xf32>,
        %get3A_984 = vector.shape_cast %get3A_983 : vector<1x16xf32> to vector<16xf32>
        %shift_left3A_985 = arith.constant 7 : i32
        %shift_left3A_986 = vector.broadcast %shift_left3A_985 : i32 to vector<16xi32>
        %shift_left3A_987 = arith.shli %get3A_931, %shift_left3A_986 : vector<16xi32>
        %lt3A_988 = arith.constant 0 : i32
        %lt3A_989 = vector.broadcast %lt3A_988 : i32 to vector<16xi32>
        %lt3A_990 = arith.cmpi slt, %shift_left3A_987, %lt3A_989 : vector<16xi32>
        %select_n3A_991 = arith.select %lt3A_990, %get3A_984, %broadcast_in_dim3A_31 : vector<16xi1>, vector<16xf32>
        %add3A_992 = arith.addf %add3A_977, %select_n3A_991 : vector<16xf32>
        %get3A_993 = arith.constant 14 : i32
        %get3A_994 = arith.index_cast %get3A_993 : i32 to index
        %get3A_995 = arith.index_cast %multiple_of3A_70 : i32 to index
        %get3A_996 = tpu.vector_load %arg6[%get3A_994, %get3A_995] {strides = array<i32>} : memref<16x512xi32, #tpu.memory_space<vmem>>, vector<1x16xi32>,
        %get3A_997 = vector.shape_cast %get3A_996 : vector<1x16xi32> to vector<16xi32>
        %add3A_998 = arith.addi %add3A_932, %get3A_997 : vector<16xi32>
        %add3A_999 = arith.constant 0 : i32
        %add3A_1000 = arith.addi %multiple_of3A_67, %add3A_999 : i32
        %get3A_1001 = arith.constant 14 : i32
        %get3A_1002 = arith.index_cast %get3A_1001 : i32 to index
        %get3A_1003 = arith.index_cast %add3A_1000 : i32 to index
        %get3A_1004 = tpu.vector_load %arg5[%get3A_1002, %get3A_1003] {strides = array<i32>} : memref<16x2048xf32, #tpu.memory_space<vmem>>, vector<1x16xf32>,
        %get3A_1005 = vector.shape_cast %get3A_1004 : vector<1x16xf32> to vector<16xf32>
        %shift_left3A_1006 = arith.constant 31 : i32
        %shift_left3A_1007 = vector.broadcast %shift_left3A_1006 : i32 to vector<16xi32>
        %shift_left3A_1008 = arith.shli %get3A_997, %shift_left3A_1007 : vector<16xi32>
        %lt3A_1009 = arith.constant 0 : i32
        %lt3A_1010 = vector.broadcast %lt3A_1009 : i32 to vector<16xi32>
        %lt3A_1011 = arith.cmpi slt, %shift_left3A_1008, %lt3A_1010 : vector<16xi32>
        %select_n3A_1012 = arith.select %lt3A_1011, %get3A_1005, %broadcast_in_dim3A_31 : vector<16xi1>, vector<16xf32>
        %add3A_1013 = arith.addf %add3A_992, %select_n3A_1012 : vector<16xf32>
        %add3A_1014 = arith.constant 16 : i32
        %add3A_1015 = arith.addi %multiple_of3A_67, %add3A_1014 : i32
        %get3A_1016 = arith.constant 14 : i32
        %get3A_1017 = arith.index_cast %get3A_1016 : i32 to index
        %get3A_1018 = arith.index_cast %add3A_1015 : i32 to index
        %get3A_1019 = tpu.vector_load %arg5[%get3A_1017, %get3A_1018] {strides = array<i32>} : memref<16x2048xf32, #tpu.memory_space<vmem>>, vector<1x16xf32>,
        %get3A_1020 = vector.shape_cast %get3A_1019 : vector<1x16xf32> to vector<16xf32>
        %shift_left3A_1021 = arith.constant 23 : i32
        %shift_left3A_1022 = vector.broadcast %shift_left3A_1021 : i32 to vector<16xi32>
        %shift_left3A_1023 = arith.shli %get3A_997, %shift_left3A_1022 : vector<16xi32>
        %lt3A_1024 = arith.constant 0 : i32
        %lt3A_1025 = vector.broadcast %lt3A_1024 : i32 to vector<16xi32>
        %lt3A_1026 = arith.cmpi slt, %shift_left3A_1023, %lt3A_1025 : vector<16xi32>
        %select_n3A_1027 = arith.select %lt3A_1026, %get3A_1020, %broadcast_in_dim3A_31 : vector<16xi1>, vector<16xf32>
        %add3A_1028 = arith.addf %add3A_1013, %select_n3A_1027 : vector<16xf32>
        %add3A_1029 = arith.constant 32 : i32
        %add3A_1030 = arith.addi %multiple_of3A_67, %add3A_1029 : i32
        %get3A_1031 = arith.constant 14 : i32
        %get3A_1032 = arith.index_cast %get3A_1031 : i32 to index
        %get3A_1033 = arith.index_cast %add3A_1030 : i32 to index
        %get3A_1034 = tpu.vector_load %arg5[%get3A_1032, %get3A_1033] {strides = array<i32>} : memref<16x2048xf32, #tpu.memory_space<vmem>>, vector<1x16xf32>,
        %get3A_1035 = vector.shape_cast %get3A_1034 : vector<1x16xf32> to vector<16xf32>
        %shift_left3A_1036 = arith.constant 15 : i32
        %shift_left3A_1037 = vector.broadcast %shift_left3A_1036 : i32 to vector<16xi32>
        %shift_left3A_1038 = arith.shli %get3A_997, %shift_left3A_1037 : vector<16xi32>
        %lt3A_1039 = arith.constant 0 : i32
        %lt3A_1040 = vector.broadcast %lt3A_1039 : i32 to vector<16xi32>
        %lt3A_1041 = arith.cmpi slt, %shift_left3A_1038, %lt3A_1040 : vector<16xi32>
        %select_n3A_1042 = arith.select %lt3A_1041, %get3A_1035, %broadcast_in_dim3A_31 : vector<16xi1>, vector<16xf32>
        %add3A_1043 = arith.addf %add3A_1028, %select_n3A_1042 : vector<16xf32>
        %add3A_1044 = arith.constant 48 : i32
        %add3A_1045 = arith.addi %multiple_of3A_67, %add3A_1044 : i32
        %get3A_1046 = arith.constant 14 : i32
        %get3A_1047 = arith.index_cast %get3A_1046 : i32 to index
        %get3A_1048 = arith.index_cast %add3A_1045 : i32 to index
        %get3A_1049 = tpu.vector_load %arg5[%get3A_1047, %get3A_1048] {strides = array<i32>} : memref<16x2048xf32, #tpu.memory_space<vmem>>, vector<1x16xf32>,
        %get3A_1050 = vector.shape_cast %get3A_1049 : vector<1x16xf32> to vector<16xf32>
        %shift_left3A_1051 = arith.constant 7 : i32
        %shift_left3A_1052 = vector.broadcast %shift_left3A_1051 : i32 to vector<16xi32>
        %shift_left3A_1053 = arith.shli %get3A_997, %shift_left3A_1052 : vector<16xi32>
        %lt3A_1054 = arith.constant 0 : i32
        %lt3A_1055 = vector.broadcast %lt3A_1054 : i32 to vector<16xi32>
        %lt3A_1056 = arith.cmpi slt, %shift_left3A_1053, %lt3A_1055 : vector<16xi32>
        %select_n3A_1057 = arith.select %lt3A_1056, %get3A_1050, %broadcast_in_dim3A_31 : vector<16xi1>, vector<16xf32>
        %add3A_1058 = arith.addf %add3A_1043, %select_n3A_1057 : vector<16xf32>
        %get3A_1059 = arith.constant 15 : i32
        %get3A_1060 = arith.index_cast %get3A_1059 : i32 to index
        %get3A_1061 = arith.index_cast %multiple_of3A_70 : i32 to index
        %get3A_1062 = tpu.vector_load %arg6[%get3A_1060, %get3A_1061] {strides = array<i32>} : memref<16x512xi32, #tpu.memory_space<vmem>>, vector<1x16xi32>,
        %get3A_1063 = vector.shape_cast %get3A_1062 : vector<1x16xi32> to vector<16xi32>
        %add3A_1064 = arith.addi %add3A_998, %get3A_1063 : vector<16xi32>
        %add3A_1065 = arith.constant 0 : i32
        %add3A_1066 = arith.addi %multiple_of3A_67, %add3A_1065 : i32
        %get3A_1067 = arith.constant 15 : i32
        %get3A_1068 = arith.index_cast %get3A_1067 : i32 to index
        %get3A_1069 = arith.index_cast %add3A_1066 : i32 to index
        %get3A_1070 = tpu.vector_load %arg5[%get3A_1068, %get3A_1069] {strides = array<i32>} : memref<16x2048xf32, #tpu.memory_space<vmem>>, vector<1x16xf32>,
        %get3A_1071 = vector.shape_cast %get3A_1070 : vector<1x16xf32> to vector<16xf32>
        %shift_left3A_1072 = arith.constant 31 : i32
        %shift_left3A_1073 = vector.broadcast %shift_left3A_1072 : i32 to vector<16xi32>
        %shift_left3A_1074 = arith.shli %get3A_1063, %shift_left3A_1073 : vector<16xi32>
        %lt3A_1075 = arith.constant 0 : i32
        %lt3A_1076 = vector.broadcast %lt3A_1075 : i32 to vector<16xi32>
        %lt3A_1077 = arith.cmpi slt, %shift_left3A_1074, %lt3A_1076 : vector<16xi32>
        %select_n3A_1078 = arith.select %lt3A_1077, %get3A_1071, %broadcast_in_dim3A_31 : vector<16xi1>, vector<16xf32>
        %add3A_1079 = arith.addf %add3A_1058, %select_n3A_1078 : vector<16xf32>
        %add3A_1080 = arith.constant 16 : i32
        %add3A_1081 = arith.addi %multiple_of3A_67, %add3A_1080 : i32
        %get3A_1082 = arith.constant 15 : i32
        %get3A_1083 = arith.index_cast %get3A_1082 : i32 to index
        %get3A_1084 = arith.index_cast %add3A_1081 : i32 to index
        %get3A_1085 = tpu.vector_load %arg5[%get3A_1083, %get3A_1084] {strides = array<i32>} : memref<16x2048xf32, #tpu.memory_space<vmem>>, vector<1x16xf32>,
        %get3A_1086 = vector.shape_cast %get3A_1085 : vector<1x16xf32> to vector<16xf32>
        %shift_left3A_1087 = arith.constant 23 : i32
        %shift_left3A_1088 = vector.broadcast %shift_left3A_1087 : i32 to vector<16xi32>
        %shift_left3A_1089 = arith.shli %get3A_1063, %shift_left3A_1088 : vector<16xi32>
        %lt3A_1090 = arith.constant 0 : i32
        %lt3A_1091 = vector.broadcast %lt3A_1090 : i32 to vector<16xi32>
        %lt3A_1092 = arith.cmpi slt, %shift_left3A_1089, %lt3A_1091 : vector<16xi32>
        %select_n3A_1093 = arith.select %lt3A_1092, %get3A_1086, %broadcast_in_dim3A_31 : vector<16xi1>, vector<16xf32>
        %add3A_1094 = arith.addf %add3A_1079, %select_n3A_1093 : vector<16xf32>
        %add3A_1095 = arith.constant 32 : i32
        %add3A_1096 = arith.addi %multiple_of3A_67, %add3A_1095 : i32
        %get3A_1097 = arith.constant 15 : i32
        %get3A_1098 = arith.index_cast %get3A_1097 : i32 to index
        %get3A_1099 = arith.index_cast %add3A_1096 : i32 to index
        %get3A_1100 = tpu.vector_load %arg5[%get3A_1098, %get3A_1099] {strides = array<i32>} : memref<16x2048xf32, #tpu.memory_space<vmem>>, vector<1x16xf32>,
        %get3A_1101 = vector.shape_cast %get3A_1100 : vector<1x16xf32> to vector<16xf32>
        %shift_left3A_1102 = arith.constant 15 : i32
        %shift_left3A_1103 = vector.broadcast %shift_left3A_1102 : i32 to vector<16xi32>
        %shift_left3A_1104 = arith.shli %get3A_1063, %shift_left3A_1103 : vector<16xi32>
        %lt3A_1105 = arith.constant 0 : i32
        %lt3A_1106 = vector.broadcast %lt3A_1105 : i32 to vector<16xi32>
        %lt3A_1107 = arith.cmpi slt, %shift_left3A_1104, %lt3A_1106 : vector<16xi32>
        %select_n3A_1108 = arith.select %lt3A_1107, %get3A_1101, %broadcast_in_dim3A_31 : vector<16xi1>, vector<16xf32>
        %add3A_1109 = arith.addf %add3A_1094, %select_n3A_1108 : vector<16xf32>
        %add3A_1110 = arith.constant 48 : i32
        %add3A_1111 = arith.addi %multiple_of3A_67, %add3A_1110 : i32
        %get3A_1112 = arith.constant 15 : i32
        %get3A_1113 = arith.index_cast %get3A_1112 : i32 to index
        %get3A_1114 = arith.index_cast %add3A_1111 : i32 to index
        %get3A_1115 = tpu.vector_load %arg5[%get3A_1113, %get3A_1114] {strides = array<i32>} : memref<16x2048xf32, #tpu.memory_space<vmem>>, vector<1x16xf32>,
        %get3A_1116 = vector.shape_cast %get3A_1115 : vector<1x16xf32> to vector<16xf32>
        %shift_left3A_1117 = arith.constant 7 : i32
        %shift_left3A_1118 = vector.broadcast %shift_left3A_1117 : i32 to vector<16xi32>
        %shift_left3A_1119 = arith.shli %get3A_1063, %shift_left3A_1118 : vector<16xi32>
        %lt3A_1120 = arith.constant 0 : i32
        %lt3A_1121 = vector.broadcast %lt3A_1120 : i32 to vector<16xi32>
        %lt3A_1122 = arith.cmpi slt, %shift_left3A_1119, %lt3A_1121 : vector<16xi32>
        %select_n3A_1123 = arith.select %lt3A_1122, %get3A_1116, %broadcast_in_dim3A_31 : vector<16xi1>, vector<16xf32>
        %add3A_1124 = arith.addf %add3A_1109, %select_n3A_1123 : vector<16xf32>
        %and3A_1125 = arith.constant 255 : i32
        %and3A_1126 = vector.broadcast %and3A_1125 : i32 to vector<16xi32>
        %and3A_1127 = arith.andi %add3A_1064, %and3A_1126 : vector<16xi32>
        %add3A_1128 = arith.addi %scan3A_64, %and3A_1127 : vector<16xi32>
        %shift_right_arithmetic3A = arith.constant 8 : i32
        %shift_right_arithmetic3A_1129 = vector.broadcast %shift_right_arithmetic3A : i32 to vector<16xi32>
        %shift_right_arithmetic3A_1130 = arith.shrsi %add3A_1064, %shift_right_arithmetic3A_1129 : vector<16xi32>
        %and3A_1131 = arith.constant 255 : i32
        %and3A_1132 = vector.broadcast %and3A_1131 : i32 to vector<16xi32>
        %and3A_1133 = arith.andi %shift_right_arithmetic3A_1130, %and3A_1132 : vector<16xi32>
        %add3A_1134 = arith.addi %add3A_1128, %and3A_1133 : vector<16xi32>
        %shift_right_arithmetic3A_1135 = arith.constant 16 : i32
        %shift_right_arithmetic3A_1136 = vector.broadcast %shift_right_arithmetic3A_1135 : i32 to vector<16xi32>
        %shift_right_arithmetic3A_1137 = arith.shrsi %add3A_1064, %shift_right_arithmetic3A_1136 : vector<16xi32>
        %and3A_1138 = arith.constant 255 : i32
        %and3A_1139 = vector.broadcast %and3A_1138 : i32 to vector<16xi32>
        %and3A_1140 = arith.andi %shift_right_arithmetic3A_1137, %and3A_1139 : vector<16xi32>
        %add3A_1141 = arith.addi %add3A_1134, %and3A_1140 : vector<16xi32>
        %shift_right_arithmetic3A_1142 = arith.constant 24 : i32
        %shift_right_arithmetic3A_1143 = vector.broadcast %shift_right_arithmetic3A_1142 : i32 to vector<16xi32>
        %shift_right_arithmetic3A_1144 = arith.shrsi %add3A_1064, %shift_right_arithmetic3A_1143 : vector<16xi32>
        %and3A_1145 = arith.constant 255 : i32
        %and3A_1146 = vector.broadcast %and3A_1145 : i32 to vector<16xi32>
        %and3A_1147 = arith.andi %shift_right_arithmetic3A_1144, %and3A_1146 : vector<16xi32>
        %add3A_1148 = arith.addi %add3A_1141, %and3A_1147 : vector<16xi32>
        scf.yield %add3A_1124, %add3A_1148 : vector<16xf32>, vector<16xi32>
      }
      %scan3A_61 = arith.constant 32 : i32
      scf.yield %scan3A_60#0, %scan3A_60#1 : vector<16xf32>, vector<16xi32>
    }
    %scan3A_38 = arith.constant 32 : i32
    %swap3A = arith.constant 0 : index
    %swap3A_39 = tpu.vector_load %arg7[%swap3A] {strides = array<i32>} : memref<32xf32, #tpu.memory_space<vmem>>, vector<16xf32>,
    %swap3A_40 = vector.shape_cast %swap3A_39 : vector<16xf32> to vector<16xf32>
    %swap3A_41 = vector.shape_cast %scan3A_37#0 : vector<16xf32> to vector<16xf32>
    tpu.vector_store %arg7[%swap3A], %swap3A_41 {strides = array<i32>} : memref<32xf32, #tpu.memory_space<vmem>>, vector<16xf32>,
    %convert_element_type3A = arith.sitofp %scan3A_37#1 : vector<16xi32> to vector<16xf32>
    %swap3A_42 = arith.constant 16 : index
    %swap3A_43 = tpu.vector_load %arg7[%swap3A_42] {strides = array<i32>} : memref<32xf32, #tpu.memory_space<vmem>>, vector<16xf32>,
    %swap3A_44 = vector.shape_cast %swap3A_43 : vector<16xf32> to vector<16xf32>
    %swap3A_45 = vector.shape_cast %convert_element_type3A : vector<16xf32> to vector<16xf32>
    tpu.vector_store %arg7[%swap3A_42], %swap3A_45 {strides = array<i32>} : memref<32xf32, #tpu.memory_space<vmem>>, vector<16xf32>,
    %mul3A_46 = arith.constant 32 : i32
    %mul3A_47 = arith.muli %add3A, %mul3A_46 : i32
    "tpu.region"() ({
      %run_scoped3A = tpu.sem_alloc : memref<!tpu.dma_semaphore, #tpu.memory_space<semaphore_mem>>
      %dma_start3A = tpu.memref_slice %arg4[%mul3A_47] : memref<1024xf32, #tpu.memory_space<hbm>> -> memref<32xf32, #tpu.memory_space<hbm>>
      %dma_start3A_48 = tpu.memref_slice %arg4[%mul3A_47] : memref<1024xf32, #tpu.memory_space<hbm>> -> memref<32xf32, #tpu.memory_space<hbm>>
      tpu.enqueue_dma source(%arg7 : memref<32xf32, #tpu.memory_space<vmem>>) target(%dma_start3A_48 : memref<32xf32, #tpu.memory_space<hbm>>) target_semaphore(%run_scoped3A : memref<!tpu.dma_semaphore, #tpu.memory_space<semaphore_mem>>)
      %dma_wait3A = tpu.memref_slice %arg4[%mul3A_47] : memref<1024xf32, #tpu.memory_space<hbm>> -> memref<32xf32, #tpu.memory_space<hbm>>
      %dma_wait3A_49 = tpu.memref_slice %arg4[%mul3A_47] : memref<1024xf32, #tpu.memory_space<hbm>> -> memref<32xf32, #tpu.memory_space<hbm>>
      tpu.wait_dma2 semaphore(%run_scoped3A : memref<!tpu.dma_semaphore, #tpu.memory_space<semaphore_mem>>) src(%arg7 : memref<32xf32, #tpu.memory_space<vmem>>) dst(%dma_wait3A_49 : memref<32xf32, #tpu.memory_space<hbm>>)
      tpu.yield
    }) : () -> ()
    return
  }
}

</mosaic_0001>

<sc_bundles>
// kernel: kernel.3.cloned.1.call-start
scs
__scs_entry_jumppad:
0x0: {  	(pc) =	sbr.rel $0x88, $3  }
0x1: {  	(tag) =	ssettag $0x0;
	lr =	simm.s32 $0x1  }
0x2: {  	[smem:$0x3F9F] =	sst lr;
	_ =	strace $0xD0000000  }
0x3: {  	_ = 	snop  }
0x4: {  	_ = 	snop  }
0x5: {  	_ = 	snop  }
0x6: {  	_ = 	snop  }
0x7: {  	_ = 	snop  }
__scs_overlays_trampoline_lowered:
0x8: {  	[smem:$0x3FAE] =	sst s0  }
0x9: {  	[smem:$0x3FAF] =	sst s1  }
0xa: {  	[smem:$0x3FB0] =	sst s2  }
0xb: {  	[smem:$0x3FB1] =	sst s3  }
0xc: {  	[smem:$0x3FB2] =	sst s4  }
0xd: {  	[smem:$0x3FB3] =	sst s5  }
0xe: {  	[smem:$0x3FB4] =	sst s6  }
0xf: {  	[smem:$0x3FB5] =	sst s7  }
0x10: {  	[smem:$0x3FB6] =	sst s8  }
0x11: {  	[smem:$0x3FB7] =	sst s9;
	s0 =	simm.s32 @!p0 $0x0  }
0x12: {  	s1 =	sld [smem:$0x3F9D];
	s0 =	simm.s32 @p0 $0x1  }
0x13: {  	[smem:$0x3FB8] =	sst s0;
	s0 =	simm.s32 @!p1 $0x0  }
0x14: {  	s2 =	sld [smem:$0x3F9C];
	s0 =	simm.s32 @p1 $0x1  }
0x15: {  	[smem:$0x3FB9] =	sst s0;
	s0 =	simm.s32 @!p2 $0x0  }
0x16: {  	s3 =	sld [smem:$0x3FDB];
	s0 =	simm.s32 @p2 $0x1  }
0x17: {  	s4 =	simm.s32 $0x1BF5;
	[smem:$0x3FBB] =	sst s0  }
0x18: {  	s0 =	sld [smem:$0x3F9E];
	_ =	swait.ge [sflag:s4], $0x0  }
0x19: {  	s7 =	sld [smem:$0x3F9F]  }
0x1a: {  	s8 =	sadd.s32 $0xFFFFE003, lr  }
0x1b: {  	s9 =	sadd.s32 $0xFFFFFEF7, lr;
	s5 =	simm.s32 $0xFFFFFFFF;
	p2 =	slt.u32 s8, $0xFFFFF086  }
0x1c: {  	p1 =	slt.u32 s9, $0xF7A;
	s5 =	simm.s32 @!p2 $0x0  }
0x1d: {  	s5 =	simm.s32 @p1 $0x1;
	p0 =	seq.s32 s7, s2  }
0x1e: {  	s7 =	smul.u32 @!p0 $0xF7A, s2;
	p2 =	seq.s32 @!p0 s5, $0x0  }
0x1f: {  	s9 =	smul.u32 $0xF7A, s1;
	s8 =	simm.s32 @!p0 $0x1BF5;
	p2 =	por !p2, p0  }
0x20: {  	[sflag:s8] =	ssyncset.s32 @!p0 $0xFFFFF086;
	s6 =	sadd.s32 @!p0 s3, s7;
	s7 =	simm.s32 @!p0 $0x108  }
0x21: {  	s3 =	sadd.s32 s3, s9;
	s6 =	sadd.s32 @!p0 $0x88, s6;
	s7 =	simm.s32 @p2 $0x1082  }
0x22: {  	[simem:s7], [sflag:s8] =	dma.local @!p0 [hbm:s6], $0xF7A  }
0x23: {  	s9 =	sor.u32 $0xD0000000, s2;
	s6 =	simm.s32 $0x108;
	_ =	swait.ge @!p0 [sflag:s8], $0x0  }
0x24: {  	s3 =	sadd.s32 $0x88, s3;
	s6 =	simm.s32 @!p1 $0x1082;
	[sflag:s4] =	ssyncset.s32 $0xFFFFF086  }
0x25: {  	[simem:s6], [sflag:s4] =	dma.local [hbm:s3], $0xF7A  }
0x26: {  	[smem:$0x3F9F] =	sst s1;
	(tag) =	ssettag s2;
	_ =	strace s9  }
0x27: {  	s1 =	sld [smem:$0x3FAF]  }
0x28: {  	s2 =	sld [smem:$0x3FB0]  }
0x29: {  	s4 =	sld [smem:$0x3FB2]  }
0x2a: {  	p0 =	seq.s32 s5, $0x0;
	s5 =	sld [smem:$0x3FB3]  }
0x2b: {  	s6 =	sld [smem:$0x3FB4]  }
0x2c: {  	s7 =	sld [smem:$0x3FB5]  }
0x2d: {  	s3 =	simm.s32 $0x108;
	s8 =	sld [smem:$0x3FB6]  }
0x2e: {  	s3 =	simm.s32 @!p0 $0x1082;
	s9 =	sld [smem:$0x3FB7]  }
0x2f: {  	lr =	sadd.s32 s0, s3;
	s0 =	sld [smem:$0x3FAE]  }
0x30: {  	s3 =	sld [smem:$0x3FB1]  }
0x31: {  	[smem:$0x3FBA] =	sst s10  }
0x32: {  	s10 =	sld [smem:$0x3FB8];
	_ =	sdelay $0x3  }
0x33: {  	p0 =	seq.s32 s10, $0x1;
	s10 =	sld [smem:$0x3FBA];
	_ =	sdelay $0x3  }
0x34: {  	[smem:$0x3FBA] =	sst s10  }
0x35: {  	s10 =	sld [smem:$0x3FB9];
	_ =	sdelay $0x3  }
0x36: {  	p1 =	seq.s32 s10, $0x1;
	s10 =	sld [smem:$0x3FBA];
	_ =	sdelay $0x3  }
0x37: {  	[smem:$0x3FBA] =	sst s10  }
0x38: {  	s10 =	sld [smem:$0x3FBB]  }
0x39: {  	_ = 	snop;
	(pc) =	sbr.ind lr, $3  }
0x3a: {  	_ = 	snop  }
0x3b: {  	_ = 	snop  }
0x3c: {  	p2 =	seq.s32 s10, $0x1;
	s10 =	sld [smem:$0x3FBA]  }
0x3d: {  	_ =	shalt  }
0x3e: {  	_ =	shalt  }
0x3f: {  	_ =	shalt  }
0x40: {  	_ =	shalt  }
0x41: {  	_ =	shalt  }
0x42: {  	_ =	shalt  }
0x43: {  	_ =	shalt  }
0x44: {  	_ =	shalt  }
0x45: {  	_ =	shalt  }
0x46: {  	_ =	shalt  }
0x47: {  	_ =	shalt  }
0x48: {  	_ =	shalt  }
0x49: {  	_ =	shalt  }
0x4a: {  	_ =	shalt  }
0x4b: {  	_ =	shalt  }
0x4c: {  	_ =	shalt  }
0x4d: {  	_ =	shalt  }
0x4e: {  	_ =	shalt  }
0x4f: {  	_ =	shalt  }
0x50: {  	_ =	shalt  }
0x51: {  	_ =	shalt  }
0x52: {  	_ =	shalt  }
0x53: {  	_ =	shalt  }
0x54: {  	_ =	shalt  }
0x55: {  	_ =	shalt  }
0x56: {  	_ =	shalt  }
0x57: {  	_ =	shalt  }
0x58: {  	_ =	shalt  }
0x59: {  	_ =	shalt  }
0x5a: {  	_ =	shalt  }
0x5b: {  	_ =	shalt  }
0x5c: {  	_ =	shalt  }
0x5d: {  	_ =	shalt  }
0x5e: {  	_ =	shalt  }
0x5f: {  	_ =	shalt  }
0x60: {  	_ =	shalt  }
0x61: {  	_ =	shalt  }
0x62: {  	_ =	shalt  }
0x63: {  	_ =	shalt  }
0x64: {  	_ =	shalt  }
0x65: {  	_ =	shalt  }
0x66: {  	_ =	shalt  }
0x67: {  	_ =	shalt  }
0x68: {  	_ =	shalt  }
0x69: {  	_ =	shalt  }
0x6a: {  	_ =	shalt  }
0x6b: {  	_ =	shalt  }
0x6c: {  	_ =	shalt  }
0x6d: {  	_ =	shalt  }
0x6e: {  	_ =	shalt  }
0x6f: {  	_ =	shalt  }
0x70: {  	_ =	shalt  }
0x71: {  	_ =	shalt  }
0x72: {  	_ =	shalt  }
0x73: {  	_ =	shalt  }
0x74: {  	_ =	shalt  }
0x75: {  	_ =	shalt  }
0x76: {  	_ =	shalt  }
0x77: {  	_ =	shalt  }
0x78: {  	_ =	shalt  }
0x79: {  	_ =	shalt  }
0x7a: {  	_ =	shalt  }
0x7b: {  	_ =	shalt  }
0x7c: {  	_ =	shalt  }
0x7d: {  	_ =	shalt  }
0x7e: {  	_ =	shalt  }
0x7f: {  	_ =	shalt  }
0x80: {  	_ =	shalt  }
0x81: {  	_ =	shalt  }
0x82: {  	_ =	shalt  }
0x83: {  	_ =	shalt  }
0x84: {  	_ =	shalt  }
0x85: {  	_ =	shalt  }
0x86: {  	_ =	shalt  }
0x87: {  	_ =	shalt  }
.Lfunc_end0:
.L_simem_size_0:
called_computation.1_lowered:
.L_overlay_start_0:
0x88: {  	s2 =	sld [smem:$0x3FD9]  }
0x89: {  	s3 =	sld [smem:$0x3FFE];
	_ =	sdelay $0x1  }
0x8a: {  	s1 =	srdreg.scid  }
0x8b: {  	s0 =	sand.u32 $0x1, s1  }
0x8c: {  	s17 =	sshll.u32 s0, $0xA;
	s2 =	sadd.s32 s3, s2  }
0x8d: {  	s2 =	sadd.s32 s2, s17  }
0x8e: {  	[smem:$0x3FC6] =	sst s2  }
0x8f: {  	_ = 	snop  }
0x90: {  	s2 =	sld [smem:$0x3FC9];
	(tm) =	ssettm $0x1  }
0x91: {  	s18 =	sld [smem:$0x3FFB];
	_ =	sdelay $0x3  }
0x92: {  	_ =	strace s18  }
0x93: {  	s3 =	sld [smem:$0x3FFC];
	_ =	sdelay $0x3  }
0x94: {  	_ =	strace s3  }
0x95: {  	s3 =	sld [smem:$0x3FFD];
	_ =	sdelay $0x3  }
0x96: {  	_ =	strace s3  }
0x97: {  	_ =	strace $0x8FFFFFFF  }
0x98: {  	s19 =	sld [smem:$0x3FDB];
	_ =	sdelay $0x1  }
0x99: {  	s4 =	simm.s32 $_scs_section_size  }
0x9a: {  	s5 =	simm.s32 $_size__tile_overlayer_lowered;
	s6 =	simm.s32 $_tile_overlayer_lowered  }
0x9b: {  	s22 =	simm.s32 $0x1BFF;
	s21 =	sshll.u32 s6, $0x1;
	s3 =	sadd.s32 s4, s19  }
0x9c: {  	s7 =	simm.s32 $0x0;
	s20 =	sshll.u32 s5, $0x1;
	s5 =	sadd.s32 s21, s3  }
0x9d: {  	[timem:s7], [sflag:s22] =	dma.local [hbm:s5], s20  }
0x9e: {  	_ =	swait.ge [sflag:s22], s20  }
0x9f: {  	s4 =	ssub.s32 $0x0, s20;
	[sflag:s22] =	ssyncset.done $0x0  }
0xa0: {  	[sflag:s22] =	ssyncadd.s32 s4;
	_ =	sdelay $0x1  }
0xa1: {  	s23 =	simm.s32 $0x1B8B  }
0xa2: {  	_ =	swait.ge [sflag:s23], $0x1  }
0xa3: {  	[sflag:s23] =	ssyncset.done $0x0  }
0xa4: {  	s25 =	simm.s32 $0x1B8E;
	s24 =	sld [smem:$0x3FFE];
	[sflag:s23] =	ssyncadd.s32 $0xFFFFFFFF  }
0xa5: {  	s26 =	simm.s32 $execute0_lowered;
	[smem:$0x3FD2] =	sst s25  }
0xa6: {  	s5 =	sshll.u32 s26, $0x1;
	_ =	strace $0x80000049;
	[dreg:$0x1] =	wrdreg $0xFFFFFFFF  }
0xa7: {  	s28 =	simm.s32 $_size_execute0_lowered;
	s3 =	sadd.s32 s3, s5;
	[dreg:$0x0] =	wrdreg $0x0  }
0xa8: {  	s5 =	sshll.u32 s28, $0x1;
	[dreg:$0x2] =	wrdreg s3  }
0xa9: {  	[dreg:$0x3] =	wrdreg s5  }
0xaa: {  	[dreg:$0x4] =	wrdreg $0xC0  }
0xab: {  	_ =	task [dreg:s7], $0x5FFFF  }
0xac: {  	[dreg:$0x1] =	wrdreg $0xFFFFFFFF  }
0xad: {  	[dreg:$0x0] =	wrdreg $0x60  }
0xae: {  	[dreg:$0x2] =	wrdreg s2  }
0xaf: {  	[dreg:$0x3] =	wrdreg s24  }
0xb0: {  	[dreg:$0x4] =	wrdreg $0x9  }
0xb1: {  	_ =	task.clear_ibuf [dreg:s7], $0x5FFFF;
	_ =	strace $0x90000049  }
0xb2: {  	s29 =	simm.s32 $0x9;
	_ =	strace $0x8000004B  }
0xb3: {  	_ =	swait.ge [sflag:s29], $0x1  }
0xb4: {  	[sflag:s29] =	ssyncadd.s32 $0xFFFFFFFF  }
0xb5: {  	_ =	strace $0x9000004B  }
0xb6: {  	_ =	sfence  }
0xb7: {  	s30 =	sld [smem:$0x0];
	_ =	sdelay $0x2  }
0xb8: {  	s31 =	sshll.u32 s1, $0xD;
	s1 =	sshrl.u32 s1, $0x2  }
0xb9: {  	s3 =	sand.u32 $0x4000, s31;
	s1 =	sadd.s32 s1, s30  }
0xba: {  	s0 =	sor.u32 s3, s0;
	s1 =	sshll.u32 s1, $0x11  }
0xbb: {  	s0 =	sor.u32 s1, s0  }
0xbc: {  	s0 =	sadd.s32 $0x8F2B, s0  }
0xbd: {  	[sflag:s0] =	ssyncadd.remote.s32 $0x1  }
0xbe: {  	_ =	sfence.sel $0xFFFF  }
0xbf: {  	[dreg:$0x0] =	wrdreg $0xFFFFFFFF;
	(pc) =	sbr.abs _section_cstart, $3  }
0xc0: {  	[dreg:$0x1] =	wrdreg $0xFFFFFFFF  }
0xc1: {  	_ =	task.clear_ibuf [dreg:s7], $0x2FFFF;
	_ =	strace $0x9FFFFFFF  }
0xc2: {  	(tm) =	ssettm $0x7FFFFFFF  }
0xc3: {  	_ =	shalt  }
tec
execute0_lowered:
.L_overlay_start_1:
0x0: {  	(tag) =	ssettag $0x1  }
0x1: {  	s5 =	rddreg [dreg:$0x0]  }
0x2: {  	s7 =	rddreg [dreg:$0x1]  }
0x3: {  	s0 =	rddreg [dreg:$0x2];
	s2 =	simm.s32 $0x0  }
0x4: {  	s3 =	srdreg.scid;
	s1 =	stileid.u32;
	s12 =	simm.s32 $0x0  }
0x5: {  	[smem:$0x7FF] =	sst s2;
	s4 =	sand.u32 $0x1, s3;
	s6 =	sshll.u32 s1, $0x1  }
0x6: {  	s3 =	sadd.s32 $0x110000, s7;
	s31 =	sshrl.u32 s1, $0x1;
	_ =	strace $0x8000004A  }
0x7: {  	s8 =	ssub.s32 $0x2, s4;
	s9 =	sor.u32 s4, s6;
	s11 =	sshll.u32 s31, $0x13  }
0x8: {  	s6 =	smul.u32 $0x101000, s31;
	s30 =	sshrl.u32 s8, $0x1;
	s10 =	sshll.u32 s9, $0x9  }
0x9: {  	s5 =	sadd.s32 s5, s11;
	s9 =	sshll.u32 s9, $0x2;
	s11 =	simm.s32 $0xA000  }
0xa: {  	s8 =	ssub.s32 s8, s30;
	s4 =	sand.u32 $0x600, s10;
	s7 =	sadd.s32 s7, s9  }
0xb: {  	s9 =	simm.s32 $0x1;
	s10 =	simm.s32 $0x8000;
	s8 =	smax.u32 s8, $0x1  }
.LBB2_1:
0xc: {  	v2 =	vimm.f32 $0.0e+00;
	v0 =	vimm.s32 $0x0;
	s13 =	simm.s32 $0x0  }
.LBB2_2:
0xd: {  	s14 =	sshll.u32 s13, $0x4  }
0xe: {  	s15 =	sadd.s32 s4, s14  }
0xf: {  	s14 =	sshll.u32 s15, $0x8  }
0x10: {  	s15 =	sshll.u32 s15, $0x9;
	s16 =	sadd.s32 s14, s5;
	s14 =	simm.s32 $0x0  }
0x11: {  	[tilespmem:s14], [sflag:$0x1] =	stream.linear.gather [hbm4b:s16+s14], $0x8000, $0x38;
	[tilespmem:$0xA080] =	vst v63  }
0x12: {  	s15 =	sadd.s32 s6, s15;
	_ =	swait.ge [sflag:s9], $0x8000  }
0x13: {  	s15 =	sshrl.u32 s15, $0x3;
	[sflag:s9] =	ssyncset.done $0x0  }
0x14: {  	s15 =	sadd.s32 s3, s15;
	[sflag:s9] =	ssyncadd.s32 $0xFFFF8000  }
0x15: {  	[tilespmem:s10], [sflag:$0x1] =	stream.linear.gather [hbm4b:s15+s14], $0x2000, $0x38;
	[tilespmem:$0xA080] =	vst v63  }
0x16: {  	_ =	swait.ge [sflag:s9], $0x2000  }
0x17: {  	s22 =	sand.u32 $0x70, s14;
	s23 =	sand.u32 $0xC00, s14;
	[sflag:s9] =	ssyncset.done $0x0  }
0x18: {  	s15 =	sor.u32 s22, s23;
	[sflag:s9] =	ssyncadd.s32 $0xFFFFE000  }
0x19: {  	s20 =	sand.u32 $0x40, s14;
	s22 =	sand.u32 $0x3C00, s14;
	v1 =	vld [tilespmem:s15+$0x8000]  }
0x1a: {  	s24 =	sor.u32 s20, s22  }
0x1b: {  	s19 =	sor.u32 $0x10, s20;
	v3 =	vld [tilespmem:s24+$0x0]  }
0x1c: {  	s23 =	sor.u32 s19, s22  }
0x1d: {  	s21 =	sor.u32 $0x20, s20;
	v4 =	vld [tilespmem:s23+$0x0]  }
0x1e: {  	s18 =	sor.u32 s21, s22;
	v5 =	vand.u32 $0x1, v1  }
0x1f: {  	s16 =	sor.u32 $0x30, s20;
	v6 =	vld [tilespmem:s18+$0x0];
	vm0 =	veq.s32 v5, $0x0  }
0x20: {  	s17 =	sor.u32 s16, s22;
	v7 =	vand.u32 $0x100, v1;
	v5 =	vld [tilespmem:s15+$0x8080];
	v3 =	vsel vm0, $0x0, v3  }
0x21: {  	vm0 =	veq.s32 v7, $0x0;
	v2 =	vadd.f32 v3, v2;
	v3 =	vld [tilespmem:s17+$0x0]  }
0x22: {  	v7 =	vand.u32 $0x10000, v1;
	v4 =	vsel vm0, $0x0, v4  }
0x23: {  	vm0 =	veq.s32 v7, $0x0;
	v2 =	vadd.f32 v2, v4;
	v4 =	vld [tilespmem:s24+$0x80]  }
0x24: {  	v7 =	vand.u32 $0x1000000, v1;
	v6 =	vsel vm0, $0x0, v6  }
0x25: {  	vm0 =	veq.s32 v7, $0x0;
	v7 =	vld [tilespmem:s23+$0x80];
	v2 =	vadd.f32 v2, v6  }
0x26: {  	v6 =	vand.u32 $0x1, v5;
	v3 =	vsel vm0, $0x0, v3  }
0x27: {  	vm0 =	veq.s32 v6, $0x0;
	v2 =	vadd.f32 v2, v3;
	v3 =	vld [tilespmem:s18+$0x80]  }
0x28: {  	v8 =	vand.u32 $0x100, v5;
	v6 =	vld [tilespmem:s15+$0x8100];
	v4 =	vsel vm0, $0x0, v4  }
0x29: {  	vm0 =	veq.s32 v8, $0x0;
	v2 =	vadd.f32 v4, v2;
	v4 =	vld [tilespmem:s17+$0x80]  }
0x2a: {  	v8 =	vand.u32 $0x10000, v5;
	v7 =	vsel vm0, $0x0, v7  }
0x2b: {  	vm0 =	veq.s32 v8, $0x0;
	v2 =	vadd.f32 v2, v7;
	v7 =	vld [tilespmem:s24+$0x100]  }
0x2c: {  	v8 =	vand.u32 $0x1000000, v5;
	v3 =	vsel vm0, $0x0, v3  }
0x2d: {  	vm0 =	veq.s32 v8, $0x0;
	v2 =	vadd.f32 v2, v3;
	v3 =	vld [tilespmem:s23+$0x100]  }
0x2e: {  	v8 =	vand.u32 $0x1, v6;
	v4 =	vsel vm0, $0x0, v4  }
0x2f: {  	vm0 =	veq.s32 v8, $0x0;
	v2 =	vadd.f32 v2, v4;
	v4 =	vld [tilespmem:s18+$0x100]  }
0x30: {  	v9 =	vand.u32 $0x100, v6;
	v8 =	vsel vm0, $0x0, v7;
	v7 =	vld [tilespmem:s15+$0x8180]  }
0x31: {  	vm0 =	veq.s32 v9, $0x0;
	v2 =	vadd.f32 v8, v2;
	v8 =	vld [tilespmem:s17+$0x100]  }
0x32: {  	v9 =	vand.u32 $0x10000, v6;
	v3 =	vsel vm0, $0x0, v3  }
0x33: {  	vm0 =	veq.s32 v9, $0x0;
	v2 =	vadd.f32 v2, v3;
	v3 =	vld [tilespmem:s24+$0x180]  }
0x34: {  	v9 =	vand.u32 $0x1000000, v6;
	v4 =	vsel vm0, $0x0, v4  }
0x35: {  	vm0 =	veq.s32 v9, $0x0;
	v2 =	vadd.f32 v2, v4;
	v4 =	vld [tilespmem:s23+$0x180]  }
0x36: {  	p0 =	por $0x0, $0x0;
	v9 =	vand.u32 $0x1, v7;
	s23 =	simm.s32 $0x1;
	v8 =	vsel vm0, $0x0, v8  }
0x37: {  	s23 =	simm.s32 @!p0 $0x0;
	vm0 =	veq.s32 v9, $0x0;
	v9 =	vld [tilespmem:s18+$0x180];
	v2 =	vadd.f32 v2, v8  }
0x38: {  	v10 =	vand.u32 $0x100, v7;
	s24 =	sshll.u32 s23, $0x6;
	v8 =	vld [tilespmem:s15+$0x8200];
	v3 =	vsel vm0, $0x0, v3  }
0x39: {  	vm0 =	veq.s32 v10, $0x0;
	v2 =	vadd.f32 v3, v2;
	v3 =	vld [tilespmem:s17+$0x180];
	s17 =	sadd.s32 $0x0, s24  }
0x3a: {  	v10 =	vand.u32 $0x10000, v7;
	v4 =	vsel vm0, $0x0, v4;
	s18 =	sor.u32 $0x200, s17  }
0x3b: {  	vm0 =	veq.s32 v10, $0x0;
	v2 =	vadd.f32 v2, v4;
	v4 =	vld [tilespmem:s18+$0x0];
	s18 =	sadd.s32 $0x10, s17  }
0x3c: {  	v10 =	vand.u32 $0x1000000, v7;
	v9 =	vsel vm0, $0x0, v9;
	s25 =	sor.u32 $0x200, s18  }
0x3d: {  	s23 =	sadd.s32 $0x20, s17;
	vm0 =	veq.s32 v10, $0x0;
	v2 =	vadd.f32 v2, v9;
	v10 =	vld [tilespmem:s25+$0x0]  }
0x3e: {  	s26 =	sor.u32 $0x200, s23;
	v9 =	vand.u32 $0x1, v8;
	v3 =	vsel vm0, $0x0, v3  }
0x3f: {  	s24 =	sadd.s32 $0x30, s17;
	vm0 =	veq.s32 v9, $0x0;
	v2 =	vadd.f32 v2, v3;
	v3 =	vld [tilespmem:s26+$0x0]  }
0x40: {  	v11 =	vand.u32 $0x100, v8;
	s25 =	sor.u32 $0x200, s24;
	v9 =	vld [tilespmem:s15+$0x8280];
	v4 =	vsel vm0, $0x0, v4  }
0x41: {  	vm0 =	veq.s32 v11, $0x0;
	v2 =	vadd.f32 v4, v2;
	v4 =	vld [tilespmem:s25+$0x0]  }
0x42: {  	s28 =	sor.u32 $0x280, s17;
	v11 =	vand.u32 $0x10000, v8;
	v10 =	vsel vm0, $0x0, v10  }
0x43: {  	vm0 =	veq.s32 v11, $0x0;
	v2 =	vadd.f32 v2, v10;
	v10 =	vld [tilespmem:s28+$0x0]  }
0x44: {  	s29 =	sor.u32 $0x280, s18;
	v11 =	vand.u32 $0x1000000, v8;
	v3 =	vsel vm0, $0x0, v3  }
0x45: {  	vm0 =	veq.s32 v11, $0x0;
	v2 =	vadd.f32 v2, v3;
	v3 =	vld [tilespmem:s29+$0x0]  }
0x46: {  	s30 =	sor.u32 $0x280, s23;
	v11 =	vand.u32 $0x1, v9;
	v4 =	vsel vm0, $0x0, v4  }
0x47: {  	vm0 =	veq.s32 v11, $0x0;
	v2 =	vadd.f32 v2, v4;
	v4 =	vld [tilespmem:s30+$0x0]  }
0x48: {  	s31 =	sor.u32 $0x280, s24;
	v12 =	vand.u32 $0x100, v9;
	v11 =	vsel vm0, $0x0, v10;
	v10 =	vld [tilespmem:s15+$0x8300]  }
0x49: {  	vm0 =	veq.s32 v12, $0x0;
	v2 =	vadd.f32 v11, v2;
	v11 =	vld [tilespmem:s31+$0x0]  }
0x4a: {  	s26 =	sor.u32 $0x300, s17;
	v40 =	vand.u32 $0x10000, v9;
	v3 =	vsel vm0, $0x0, v3  }
0x4b: {  	vm0 =	veq.s32 v40, $0x0;
	v2 =	vadd.f32 v2, v3;
	v3 =	vld [tilespmem:s26+$0x0]  }
0x4c: {  	v41 =	vand.u32 $0x1000000, v9;
	s28 =	sor.u32 $0x300, s18;
	v4 =	vsel vm0, $0x0, v4  }
0x4d: {  	vm0 =	veq.s32 v41, $0x0;
	v2 =	vadd.f32 v2, v4;
	v4 =	vld [tilespmem:s28+$0x0]  }
0x4e: {  	s29 =	sor.u32 $0x300, s23;
	s26 =	sor.u32 s14, s14;
	v42 =	vand.u32 $0x1, v10;
	v11 =	vsel vm0, $0x0, v11  }
0x4f: {  	v43 =	vld [tilespmem:s29+$0x0];
	s30 =	sor.u32 $0x380, s26;
	vm0 =	veq.s32 v42, $0x0;
	v2 =	vadd.f32 v2, v11  }
0x50: {  	s31 =	sor.u32 $0x300, s24;
	v13 =	vand.u32 $0x100, v10;
	v11 =	vld [tilespmem:s30+$0x8000];
	v3 =	vsel vm0, $0x0, v3  }
0x51: {  	vm0 =	veq.s32 v13, $0x0;
	v2 =	vadd.f32 v3, v2;
	v3 =	vld [tilespmem:s31+$0x0]  }
0x52: {  	s17 =	sor.u32 $0x380, s17;
	v44 =	vand.u32 $0x10000, v10;
	v4 =	vsel vm0, $0x0, v4  }
0x53: {  	vm0 =	veq.s32 v44, $0x0;
	v2 =	vadd.f32 v2, v4;
	v4 =	vld [tilespmem:s17+$0x0]  }
0x54: {  	s26 =	sor.u32 $0x380, s18;
	v45 =	vand.u32 $0x1000000, v10;
	v12 =	vsel vm0, $0x0, v43  }
0x55: {  	v46 =	vld [tilespmem:s26+$0x0];
	vm0 =	veq.s32 v45, $0x0;
	v2 =	vadd.f32 v2, v12  }
0x56: {  	s28 =	sor.u32 $0x380, s23;
	v47 =	vand.u32 $0x1, v11;
	v3 =	vsel vm0, $0x0, v3  }
0x57: {  	vm0 =	veq.s32 v47, $0x0;
	v2 =	vadd.f32 v2, v3;
	v3 =	vld [tilespmem:s28+$0x0]  }
0x58: {  	v48 =	vld [tilespmem:s15+$0x9000];
	s29 =	sor.u32 $0x380, s24;
	v14 =	vand.u32 $0x100, v11;
	v4 =	vsel vm0, $0x0, v4  }
0x59: {  	s30 =	sor.u32 $0x4000, s22;
	vm0 =	veq.s32 v14, $0x0;
	v2 =	vadd.f32 v4, v2;
	v4 =	vld [tilespmem:s29+$0x0]  }
0x5a: {  	s31 =	sor.u32 s20, s30;
	v49 =	vand.u32 $0x10000, v11;
	v13 =	vsel vm0, $0x0, v46  }
0x5b: {  	v50 =	vld [tilespmem:s31+$0x0];
	vm0 =	veq.s32 v49, $0x0;
	v2 =	vadd.f32 v2, v13  }
0x5c: {  	s23 =	sor.u32 s19, s30;
	v51 =	vand.u32 $0x1000000, v11;
	v3 =	vsel vm0, $0x0, v3  }
0x5d: {  	vm0 =	veq.s32 v51, $0x0;
	v2 =	vadd.f32 v2, v3;
	v3 =	vld [tilespmem:s23+$0x0]  }
0x5e: {  	v52 =	vand.u32 $0x1, v48;
	s24 =	sor.u32 s21, s30;
	v4 =	vsel vm0, $0x0, v4  }
0x5f: {  	vm0 =	veq.s32 v52, $0x0;
	v2 =	vadd.f32 v2, v4;
	v4 =	vld [tilespmem:s24+$0x0]  }
0x60: {  	v53 =	vld [tilespmem:s15+$0x9080];
	v15 =	vand.u32 $0x100, v48;
	s17 =	sor.u32 s16, s30;
	v14 =	vsel vm0, $0x0, v50  }
0x61: {  	s25 =	sor.u32 $0x4080, s22;
	v54 =	vld [tilespmem:s17+$0x0];
	vm0 =	veq.s32 v15, $0x0;
	v2 =	vadd.f32 v14, v2  }
0x62: {  	s26 =	sor.u32 s20, s25;
	v15 =	vand.u32 $0x10000, v48;
	v3 =	vsel vm0, $0x0, v3  }
0x63: {  	vm0 =	veq.s32 v15, $0x0;
	v2 =	vadd.f32 v2, v3;
	v3 =	vld [tilespmem:s26+$0x0]  }
0x64: {  	s28 =	sor.u32 s19, s25;
	v15 =	vand.u32 $0x1000000, v48;
	v4 =	vsel vm0, $0x0, v4  }
0x65: {  	vm0 =	veq.s32 v15, $0x0;
	v2 =	vadd.f32 v2, v4;
	v4 =	vld [tilespmem:s28+$0x0]  }
0x66: {  	s29 =	sor.u32 s21, s25;
	v15 =	vand.u32 $0x1, v53;
	v14 =	vsel vm0, $0x0, v54  }
0x67: {  	vm0 =	veq.s32 v15, $0x0;
	v15 =	vld [tilespmem:s29+$0x0];
	v2 =	vadd.f32 v2, v14  }
0x68: {  	v55 =	vld [tilespmem:s15+$0x9100];
	v16 =	vand.u32 $0x100, v53;
	s17 =	sor.u32 s16, s25;
	v3 =	vsel vm0, $0x0, v3  }
0x69: {  	s30 =	sor.u32 $0x4100, s22;
	vm0 =	veq.s32 v16, $0x0;
	v2 =	vadd.f32 v3, v2;
	v3 =	vld [tilespmem:s17+$0x0]  }
0x6a: {  	s31 =	sor.u32 s20, s30;
	v16 =	vand.u32 $0x10000, v53;
	v4 =	vsel vm0, $0x0, v4  }
0x6b: {  	vm0 =	veq.s32 v16, $0x0;
	v2 =	vadd.f32 v2, v4;
	v4 =	vld [tilespmem:s31+$0x0]  }
0x6c: {  	s23 =	sor.u32 s19, s30;
	v16 =	vand.u32 $0x1000000, v53;
	v15 =	vsel vm0, $0x0, v15  }
0x6d: {  	vm0 =	veq.s32 v16, $0x0;
	v16 =	vld [tilespmem:s23+$0x0];
	v2 =	vadd.f32 v2, v15  }
0x6e: {  	s24 =	sor.u32 s21, s30;
	v15 =	vand.u32 $0x1, v55;
	v3 =	vsel vm0, $0x0, v3  }
0x6f: {  	vm0 =	veq.s32 v15, $0x0;
	v2 =	vadd.f32 v2, v3;
	v3 =	vld [tilespmem:s24+$0x0]  }
0x70: {  	v17 =	vand.u32 $0x100, v55;
	s17 =	sor.u32 s16, s30;
	v15 =	vld [tilespmem:s15+$0x9180];
	v4 =	vsel vm0, $0x0, v4  }
0x71: {  	s25 =	sor.u32 $0x4180, s22;
	vm0 =	veq.s32 v17, $0x0;
	v2 =	vadd.f32 v4, v2;
	v4 =	vld [tilespmem:s17+$0x0]  }
0x72: {  	s26 =	sor.u32 s20, s25;
	v17 =	vand.u32 $0x10000, v55;
	v16 =	vsel vm0, $0x0, v16  }
0x73: {  	vm0 =	veq.s32 v17, $0x0;
	v2 =	vadd.f32 v2, v16;
	v16 =	vld [tilespmem:s26+$0x0]  }
0x74: {  	s28 =	sor.u32 s19, s25;
	v17 =	vand.u32 $0x1000000, v55;
	v3 =	vsel vm0, $0x0, v3  }
0x75: {  	vm0 =	veq.s32 v17, $0x0;
	v2 =	vadd.f32 v2, v3;
	v3 =	vld [tilespmem:s28+$0x0]  }
0x76: {  	s29 =	sor.u32 s21, s25;
	v17 =	vand.u32 $0x1, v15;
	v4 =	vsel vm0, $0x0, v4  }
0x77: {  	vm0 =	veq.s32 v17, $0x0;
	v2 =	vadd.f32 v2, v4;
	v4 =	vld [tilespmem:s29+$0x0]  }
0x78: {  	v18 =	vld [tilespmem:s15+$0x9200];
	s17 =	sor.u32 s16, s25;
	v17 =	vand.u32 $0x100, v15;
	v16 =	vsel vm0, $0x0, v16  }
0x79: {  	s30 =	sor.u32 $0x4200, s22;
	vm0 =	veq.s32 v17, $0x0;
	v2 =	vadd.f32 v16, v2;
	v16 =	vld [tilespmem:s17+$0x0]  }
0x7a: {  	s31 =	sor.u32 s20, s30;
	v17 =	vand.u32 $0x10000, v15;
	v3 =	vsel vm0, $0x0, v3  }
0x7b: {  	vm0 =	veq.s32 v17, $0x0;
	v2 =	vadd.f32 v2, v3;
	v3 =	vld [tilespmem:s31+$0x0]  }
0x7c: {  	s23 =	sor.u32 s19, s30;
	v17 =	vand.u32 $0x1000000, v15;
	v4 =	vsel vm0, $0x0, v4  }
0x7d: {  	vm0 =	veq.s32 v17, $0x0;
	v2 =	vadd.f32 v2, v4;
	v4 =	vld [tilespmem:s23+$0x0]  }
0x7e: {  	s24 =	sor.u32 s21, s30;
	v17 =	vand.u32 $0x1, v18;
	v16 =	vsel vm0, $0x0, v16  }
0x7f: {  	vm0 =	veq.s32 v17, $0x0;
	v2 =	vadd.f32 v2, v16;
	v16 =	vld [tilespmem:s24+$0x0]  }
0x80: {  	v19 =	vand.u32 $0x100, v18;
	s17 =	sor.u32 s16, s30;
	v17 =	vsel vm0, $0x0, v3;
	v3 =	vld [tilespmem:s15+$0x9280]  }
0x81: {  	s25 =	sor.u32 $0x4280, s22;
	vm0 =	veq.s32 v19, $0x0;
	v19 =	vld [tilespmem:s17+$0x0];
	v17 =	vadd.f32 v17, v2  }
0x82: {  	v20 =	vand.u32 $0x10000, v18;
	s26 =	sor.u32 s20, s25;
	v4 =	vsel vm0, $0x0, v4  }
0x83: {  	vm0 =	veq.s32 v20, $0x0;
	v4 =	vadd.f32 v17, v4;
	v17 =	vld [tilespmem:s26+$0x0]  }
0x84: {  	v56 =	vand.u32 $0x1000000, v18;
	s28 =	sor.u32 s19, s25;
	v16 =	vsel vm0, $0x0, v16  }
0x85: {  	v57 =	vld [tilespmem:s28+$0x0];
	vm0 =	veq.s32 v56, $0x0;
	v16 =	vadd.f32 v4, v16  }
0x86: {  	s29 =	sor.u32 s21, s25;
	v19 =	vsel vm0, $0x0, v19;
	v21 =	vand.u32 $0x1, v3  }
0x87: {  	v1 =	vadd.s32 v1, v5;
	v58 =	vld [tilespmem:s29+$0x0];
	s30 =	sor.u32 s16, s25;
	vm0 =	veq.s32 v21, $0x0;
	v19 =	vadd.f32 v16, v19  }
0x88: {  	v6 =	vadd.s32 v6, v1;
	v59 =	vld [tilespmem:s30+$0x0];
	v23 =	vand.u32 $0x100, v3;
	v17 =	vsel vm0, $0x0, v17  }
0x89: {  	v6 =	vadd.s32 v7, v6;
	s31 =	sor.u32 $0x4300, s22;
	v4 =	vld [tilespmem:s15+$0x9300];
	vm0 =	veq.s32 v23, $0x0;
	v19 =	vadd.f32 v17, v19  }
0x8a: {  	v6 =	vadd.s32 v8, v6;
	s24 =	sor.u32 s20, s31;
	v24 =	vand.u32 $0x10000, v3;
	v20 =	vsel vm0, $0x0, v57  }
0x8b: {  	v6 =	vadd.s32 v9, v6;
	v60 =	vld [tilespmem:s24+$0x0];
	vm0 =	veq.s32 v24, $0x0;
	v19 =	vadd.f32 v19, v20  }
0x8c: {  	v6 =	vadd.s32 v10, v6;
	s28 =	sor.u32 s19, s31;
	v2 =	vld [tilespmem:s15+$0x9380];
	v62 =	vand.u32 $0x1000000, v3;
	v5 =	vsel vm0, $0x0, v58  }
0x8d: {  	v6 =	vadd.s32 v11, v6;
	vm0 =	veq.s32 v62, $0x0;
	v5 =	vadd.f32 v19, v5;
	v19 =	vld [tilespmem:s28+$0x0]  }
0x8e: {  	s18 =	simm.s32 $0x10;
	v6 =	vadd.s32 v48, v6;
	s29 =	sor.u32 s21, s31;
	s17 =	simm.s32 $0x80;
	v63 =	vand.u32 $0x1, v4;
	v7 =	vsel vm0, $0x0, v59  }
0x8f: {  	s25 =	sand.u32 $0x70, s18;
	s23 =	sor.u32 s16, s31;
	s26 =	sand.u32 $0xC00, s17;
	v9 =	vand.u32 $0x100, v4;
	vm0 =	veq.s32 v63, $0x0;
	v5 =	vadd.f32 v5, v7;
	v7 =	vld [tilespmem:s29+$0x0]  }
0x90: {  	v6 =	vadd.s32 v53, v6;
	s15 =	sor.u32 s25, s26;
	v8 =	vsel vm0, $0x0, v60;
	vm0 =	veq.s32 v9, $0x0;
	v9 =	vld [tilespmem:s23+$0x0]  }
0x91: {  	v22 =	vand.u32 $0x1000000, v2;
	v25 =	vand.u32 $0x1, v2;
	v1 =	vld [tilespmem:s15+$0x8000];
	s23 =	sor.u32 $0x4380, s22;
	v5 =	vadd.f32 v8, v5  }
0x92: {  	v16 =	vand.u32 $0x10000, v2;
	v10 =	vand.u32 $0x10000, v4;
	s20 =	sor.u32 s20, s23;
	v8 =	vsel vm0, $0x0, v19  }
0x93: {  	v61 =	vand.u32 $0x1000000, v4;
	s30 =	sor.u32 s21, s23;
	vm0 =	veq.s32 v10, $0x0;
	v11 =	vadd.f32 v5, v8;
	v8 =	vld [tilespmem:s20+$0x0]  }
0x94: {  	s31 =	sor.u32 s19, s23;
	v10 =	vadd.s32 v55, v6;
	v6 =	vld [tilespmem:s30+$0x0];
	v7 =	vsel vm0, $0x0, v7;
	vm0 =	veq.s32 v61, $0x0  }
0x95: {  	v11 =	vadd.f32 v11, v7;
	v7 =	vadd.s32 v15, v10;
	v10 =	vsel vm0, $0x0, v9;
	v9 =	vld [tilespmem:s31+$0x0]  }
0x96: {  	vm1 =	veq.s32 v25, $0x0;
	v17 =	vand.u32 $0x100, v2;
	v5 =	vand.u32 $0x1, v1  }
0x97: {  	s19 =	simm.s32 $0x200;
	s20 =	simm.s32 $0x400;
	vm0 =	veq.s32 v22, $0x0;
	v7 =	vadd.s32 v18, v7;
	v10 =	vadd.f32 v11, v10  }
.LBB2_3:
0x98: {  	p1 =	sne.s32 s20, $0x3E00;
	v3 =	vadd.s32 v3, v7;
	v7 =	vsel vm1, $0x0, v8;
	vm1 =	veq.s32 v16, $0x0;
	s16 =	sor.u32 s16, s23;
	s14 =	sadd.s32 $0x40, s14  }
0x99: {  	s23 =	sand.u32 $0x3C00, s19;
	vm2 =	veq.s32 v17, $0x0;
	s21 =	sand.u32 $0x40, s14;
	v3 =	vadd.s32 v4, v3;
	v4 =	vadd.f32 v7, v10;
	v7 =	vld [tilespmem:s16+$0x0]  }
0x9a: {  	v6 =	vsel vm1, $0x0, v6;
	s25 =	sor.u32 s21, s23;
	v2 =	vadd.s32 v2, v3;
	v3 =	vsel vm2, $0x0, v9  }
0x9b: {  	s22 =	sor.u32 $0x10, s21;
	v8 =	vld [tilespmem:s25+$0x0];
	v3 =	vadd.f32 v4, v3;
	v4 =	vand.u32 $0xFF, v2;
	v9 =	vshrl.u32 v2, $0x10  }
0x9c: {  	s26 =	sor.u32 s22, s23;
	v0 =	vadd.s32 v0, v4;
	v4 =	vshrl.u32 v2, $0x8;
	v2 =	vshrl.u32 v2, $0x18  }
0x9d: {  	s24 =	sor.u32 $0x20, s21;
	v10 =	vld [tilespmem:s26+$0x0];
	v3 =	vadd.f32 v3, v6;
	v4 =	vand.u32 $0xFF, v4;
	v0 =	vadd.s32 v2, v0  }
0x9e: {  	s28 =	sor.u32 s24, s23;
	v6 =	vand.u32 $0xFF, v9;
	v2 =	vsel vm0, $0x0, v7;
	v0 =	vadd.s32 v4, v0  }
0x9f: {  	s16 =	sor.u32 $0x30, s21;
	vm0 =	veq.s32 v5, $0x0;
	v4 =	vld [tilespmem:s28+$0x0];
	v2 =	vadd.f32 v3, v2;
	v0 =	vadd.s32 v6, v0  }
0xa0: {  	s29 =	sor.u32 s16, s23;
	v6 =	vand.u32 $0x100, v1;
	v3 =	vsel vm0, $0x0, v8;
	v5 =	vld [tilespmem:s15+$0x8080]  }
0xa1: {  	vm0 =	veq.s32 v6, $0x0;
	v2 =	vadd.f32 v3, v2;
	v3 =	vld [tilespmem:s29+$0x0]  }
0xa2: {  	v7 =	vand.u32 $0x10000, v1;
	v6 =	vsel vm0, $0x0, v10  }
0xa3: {  	vm0 =	veq.s32 v7, $0x0;
	v2 =	vadd.f32 v2, v6;
	v6 =	vld [tilespmem:s25+$0x80]  }
0xa4: {  	v7 =	vand.u32 $0x1000000, v1;
	v4 =	vsel vm0, $0x0, v4  }
0xa5: {  	vm0 =	veq.s32 v7, $0x0;
	v2 =	vadd.f32 v2, v4;
	v4 =	vld [tilespmem:s26+$0x80]  }
0xa6: {  	v7 =	vand.u32 $0x1, v5;
	v3 =	vsel vm0, $0x0, v3  }
0xa7: {  	vm0 =	veq.s32 v7, $0x0;
	v2 =	vadd.f32 v2, v3;
	v3 =	vld [tilespmem:s28+$0x80]  }
0xa8: {  	v8 =	vand.u32 $0x100, v5;
	v7 =	vsel vm0, $0x0, v6;
	v6 =	vld [tilespmem:s15+$0x8100]  }
0xa9: {  	vm0 =	veq.s32 v8, $0x0;
	v2 =	vadd.f32 v7, v2;
	v7 =	vld [tilespmem:s29+$0x80]  }
0xaa: {  	v8 =	vand.u32 $0x10000, v5;
	v4 =	vsel vm0, $0x0, v4  }
0xab: {  	vm0 =	veq.s32 v8, $0x0;
	v2 =	vadd.f32 v2, v4;
	v4 =	vld [tilespmem:s25+$0x100]  }
0xac: {  	v8 =	vand.u32 $0x1000000, v5;
	v3 =	vsel vm0, $0x0, v3  }
0xad: {  	vm0 =	veq.s32 v8, $0x0;
	v2 =	vadd.f32 v2, v3;
	v3 =	vld [tilespmem:s26+$0x100]  }
0xae: {  	v8 =	vand.u32 $0x1, v6;
	v7 =	vsel vm0, $0x0, v7  }
0xaf: {  	vm0 =	veq.s32 v8, $0x0;
	v2 =	vadd.f32 v2, v7;
	v8 =	vld [tilespmem:s28+$0x100]  }
0xb0: {  	v9 =	vand.u32 $0x100, v6;
	v4 =	vsel vm0, $0x0, v4;
	v7 =	vld [tilespmem:s15+$0x8180]  }
0xb1: {  	vm0 =	veq.s32 v9, $0x0;
	v2 =	vadd.f32 v4, v2;
	v4 =	vld [tilespmem:s29+$0x100]  }
0xb2: {  	v9 =	vand.u32 $0x10000, v6;
	v3 =	vsel vm0, $0x0, v3  }
0xb3: {  	vm0 =	veq.s32 v9, $0x0;
	v2 =	vadd.f32 v2, v3;
	v3 =	vld [tilespmem:s25+$0x180]  }
0xb4: {  	v9 =	vand.u32 $0x1000000, v6;
	v8 =	vsel vm0, $0x0, v8  }
0xb5: {  	vm0 =	veq.s32 v9, $0x0;
	v2 =	vadd.f32 v2, v8;
	v9 =	vld [tilespmem:s26+$0x180]  }
0xb6: {  	p0 =	por !p0, !p0;
	s25 =	simm.s32 $0x1;
	v8 =	vand.u32 $0x1, v7;
	v4 =	vsel vm0, $0x0, v4  }
0xb7: {  	s25 =	simm.s32 @!p0 $0x0;
	vm0 =	veq.s32 v8, $0x0;
	v2 =	vadd.f32 v2, v4;
	v4 =	vld [tilespmem:s28+$0x180]  }
0xb8: {  	s25 =	sshll.u32 s25, $0x6;
	v10 =	vand.u32 $0x100, v7;
	v3 =	vsel vm0, $0x0, v3;
	v8 =	vld [tilespmem:s15+$0x8200]  }
0xb9: {  	s25 =	sadd.s32 s25, s19;
	s19 =	smov.u32 s20;
	vm0 =	veq.s32 v10, $0x0;
	v2 =	vadd.f32 v3, v2;
	v3 =	vld [tilespmem:s29+$0x180]  }
0xba: {  	s26 =	sor.u32 $0x200, s25;
	v10 =	vand.u32 $0x10000, v7;
	v9 =	vsel vm0, $0x0, v9  }
0xbb: {  	vm0 =	veq.s32 v10, $0x0;
	v2 =	vadd.f32 v2, v9;
	v9 =	vld [tilespmem:s26+$0x0];
	s26 =	sadd.s32 $0x10, s25  }
0xbc: {  	v10 =	vand.u32 $0x1000000, v7;
	v4 =	vsel vm0, $0x0, v4;
	s28 =	sor.u32 $0x200, s26  }
0xbd: {  	vm0 =	veq.s32 v10, $0x0;
	v2 =	vadd.f32 v2, v4;
	v4 =	vld [tilespmem:s28+$0x0];
	s28 =	sadd.s32 $0x20, s25  }
0xbe: {  	v10 =	vand.u32 $0x1, v8;
	v3 =	vsel vm0, $0x0, v3;
	s29 =	sor.u32 $0x200, s28  }
0xbf: {  	vm0 =	veq.s32 v10, $0x0;
	v2 =	vadd.f32 v2, v3;
	v3 =	vld [tilespmem:s29+$0x0];
	s29 =	sadd.s32 $0x30, s25  }
0xc0: {  	v11 =	vand.u32 $0x100, v8;
	v10 =	vsel vm0, $0x0, v9;
	s30 =	sor.u32 $0x200, s29;
	v9 =	vld [tilespmem:s15+$0x8280]  }
0xc1: {  	vm0 =	veq.s32 v11, $0x0;
	v2 =	vadd.f32 v10, v2;
	v10 =	vld [tilespmem:s30+$0x0]  }
0xc2: {  	v11 =	vand.u32 $0x10000, v8;
	s30 =	sor.u32 $0x280, s25;
	v4 =	vsel vm0, $0x0, v4  }
0xc3: {  	vm0 =	veq.s32 v11, $0x0;
	v2 =	vadd.f32 v2, v4;
	v4 =	vld [tilespmem:s30+$0x0]  }
0xc4: {  	v11 =	vand.u32 $0x1000000, v8;
	s30 =	sor.u32 $0x280, s26;
	v3 =	vsel vm0, $0x0, v3  }
0xc5: {  	vm0 =	veq.s32 v11, $0x0;
	v2 =	vadd.f32 v2, v3;
	v3 =	vld [tilespmem:s30+$0x0]  }
0xc6: {  	v11 =	vand.u32 $0x1, v9;
	s30 =	sor.u32 $0x280, s28;
	v10 =	vsel vm0, $0x0, v10  }
0xc7: {  	vm0 =	veq.s32 v11, $0x0;
	v2 =	vadd.f32 v2, v10;
	v11 =	vld [tilespmem:s30+$0x0]  }
0xc8: {  	v12 =	vand.u32 $0x100, v9;
	s30 =	sor.u32 $0x280, s29;
	v4 =	vsel vm0, $0x0, v4;
	v10 =	vld [tilespmem:s15+$0x8300]  }
0xc9: {  	vm0 =	veq.s32 v12, $0x0;
	v2 =	vadd.f32 v4, v2;
	v4 =	vld [tilespmem:s30+$0x0]  }
0xca: {  	v12 =	vand.u32 $0x10000, v9;
	s30 =	sor.u32 $0x300, s25;
	v3 =	vsel vm0, $0x0, v3  }
0xcb: {  	vm0 =	veq.s32 v12, $0x0;
	v2 =	vadd.f32 v2, v3;
	v3 =	vld [tilespmem:s30+$0x0]  }
0xcc: {  	v12 =	vand.u32 $0x1000000, v9;
	s30 =	sor.u32 $0x300, s26;
	v11 =	vsel vm0, $0x0, v11  }
0xcd: {  	vm0 =	veq.s32 v12, $0x0;
	v2 =	vadd.f32 v2, v11;
	v12 =	vld [tilespmem:s30+$0x0]  }
0xce: {  	s31 =	sor.u32 s17, s18;
	v11 =	vand.u32 $0x1, v10;
	s30 =	sor.u32 $0x300, s28;
	v4 =	vsel vm0, $0x0, v4  }
0xcf: {  	vm0 =	veq.s32 v11, $0x0;
	v2 =	vadd.f32 v2, v4;
	v4 =	vld [tilespmem:s30+$0x0];
	s30 =	sor.u32 $0x380, s31  }
0xd0: {  	v13 =	vand.u32 $0x100, v10;
	s31 =	sor.u32 $0x300, s29;
	v3 =	vsel vm0, $0x0, v3;
	v11 =	vld [tilespmem:s30+$0x8000]  }
0xd1: {  	vm0 =	veq.s32 v13, $0x0;
	v2 =	vadd.f32 v3, v2;
	v3 =	vld [tilespmem:s31+$0x0]  }
0xd2: {  	s25 =	sor.u32 $0x380, s25;
	v13 =	vand.u32 $0x10000, v10;
	v12 =	vsel vm0, $0x0, v12  }
0xd3: {  	vm0 =	veq.s32 v13, $0x0;
	v2 =	vadd.f32 v2, v12;
	v12 =	vld [tilespmem:s25+$0x0]  }
0xd4: {  	v13 =	vand.u32 $0x1000000, v10;
	s25 =	sor.u32 $0x380, s26;
	v4 =	vsel vm0, $0x0, v4  }
0xd5: {  	vm0 =	veq.s32 v13, $0x0;
	v2 =	vadd.f32 v2, v4;
	v4 =	vld [tilespmem:s25+$0x0]  }
0xd6: {  	v13 =	vand.u32 $0x1, v11;
	s25 =	sor.u32 $0x380, s28;
	v3 =	vsel vm0, $0x0, v3  }
0xd7: {  	vm0 =	veq.s32 v13, $0x0;
	v2 =	vadd.f32 v2, v3;
	v3 =	vld [tilespmem:s25+$0x0]  }
0xd8: {  	v14 =	vand.u32 $0x100, v11;
	s25 =	sor.u32 $0x380, s29;
	v13 =	vsel vm0, $0x0, v12;
	v12 =	vld [tilespmem:s15+$0x9000]  }
0xd9: {  	vm0 =	veq.s32 v14, $0x0;
	v2 =	vadd.f32 v13, v2;
	v13 =	vld [tilespmem:s25+$0x0];
	s25 =	sor.u32 $0x4000, s23  }
0xda: {  	v14 =	vand.u32 $0x10000, v11;
	v4 =	vsel vm0, $0x0, v4;
	s26 =	sor.u32 s21, s25  }
0xdb: {  	vm0 =	veq.s32 v14, $0x0;
	v2 =	vadd.f32 v2, v4;
	v4 =	vld [tilespmem:s26+$0x0]  }
0xdc: {  	v14 =	vand.u32 $0x1000000, v11;
	s26 =	sor.u32 s22, s25;
	v3 =	vsel vm0, $0x0, v3  }
0xdd: {  	vm0 =	veq.s32 v14, $0x0;
	v2 =	vadd.f32 v2, v3;
	v3 =	vld [tilespmem:s26+$0x0]  }
0xde: {  	v14 =	vand.u32 $0x1, v12;
	s26 =	sor.u32 s24, s25;
	v13 =	vsel vm0, $0x0, v13  }
0xdf: {  	vm0 =	veq.s32 v14, $0x0;
	v2 =	vadd.f32 v2, v13;
	v14 =	vld [tilespmem:s26+$0x0]  }
0xe0: {  	v15 =	vand.u32 $0x100, v12;
	s25 =	sor.u32 s16, s25;
	v4 =	vsel vm0, $0x0, v4;
	v13 =	vld [tilespmem:s15+$0x9080]  }
0xe1: {  	vm0 =	veq.s32 v15, $0x0;
	v2 =	vadd.f32 v4, v2;
	v4 =	vld [tilespmem:s25+$0x0];
	s25 =	sor.u32 $0x4080, s23  }
0xe2: {  	v15 =	vand.u32 $0x10000, v12;
	v3 =	vsel vm0, $0x0, v3;
	s26 =	sor.u32 s21, s25  }
0xe3: {  	vm0 =	veq.s32 v15, $0x0;
	v2 =	vadd.f32 v2, v3;
	v3 =	vld [tilespmem:s26+$0x0]  }
0xe4: {  	v15 =	vand.u32 $0x1000000, v12;
	s26 =	sor.u32 s22, s25;
	v14 =	vsel vm0, $0x0, v14  }
0xe5: {  	vm0 =	veq.s32 v15, $0x0;
	v2 =	vadd.f32 v2, v14;
	v15 =	vld [tilespmem:s26+$0x0]  }
0xe6: {  	v14 =	vand.u32 $0x1, v13;
	s26 =	sor.u32 s24, s25;
	v4 =	vsel vm0, $0x0, v4  }
0xe7: {  	vm0 =	veq.s32 v14, $0x0;
	v2 =	vadd.f32 v2, v4;
	v4 =	vld [tilespmem:s26+$0x0]  }
0xe8: {  	v16 =	vand.u32 $0x100, v13;
	s25 =	sor.u32 s16, s25;
	v3 =	vsel vm0, $0x0, v3;
	v14 =	vld [tilespmem:s15+$0x9100]  }
0xe9: {  	vm0 =	veq.s32 v16, $0x0;
	v2 =	vadd.f32 v3, v2;
	v3 =	vld [tilespmem:s25+$0x0];
	s25 =	sor.u32 $0x4100, s23  }
0xea: {  	v16 =	vand.u32 $0x10000, v13;
	v15 =	vsel vm0, $0x0, v15;
	s26 =	sor.u32 s21, s25  }
0xeb: {  	vm0 =	veq.s32 v16, $0x0;
	v2 =	vadd.f32 v2, v15;
	v15 =	vld [tilespmem:s26+$0x0]  }
0xec: {  	v16 =	vand.u32 $0x1000000, v13;
	s26 =	sor.u32 s22, s25;
	v4 =	vsel vm0, $0x0, v4  }
0xed: {  	vm0 =	veq.s32 v16, $0x0;
	v2 =	vadd.f32 v2, v4;
	v4 =	vld [tilespmem:s26+$0x0]  }
0xee: {  	v16 =	vand.u32 $0x1, v14;
	s26 =	sor.u32 s24, s25;
	v3 =	vsel vm0, $0x0, v3  }
0xef: {  	vm0 =	veq.s32 v16, $0x0;
	v2 =	vadd.f32 v2, v3;
	v3 =	vld [tilespmem:s26+$0x0]  }
0xf0: {  	v17 =	vand.u32 $0x100, v14;
	s25 =	sor.u32 s16, s25;
	v16 =	vsel vm0, $0x0, v15;
	v15 =	vld [tilespmem:s15+$0x9180]  }
0xf1: {  	vm0 =	veq.s32 v17, $0x0;
	v2 =	vadd.f32 v16, v2;
	v16 =	vld [tilespmem:s25+$0x0];
	s25 =	sor.u32 $0x4180, s23  }
0xf2: {  	v17 =	vand.u32 $0x10000, v14;
	v4 =	vsel vm0, $0x0, v4;
	s26 =	sor.u32 s21, s25  }
0xf3: {  	vm0 =	veq.s32 v17, $0x0;
	v2 =	vadd.f32 v2, v4;
	v4 =	vld [tilespmem:s26+$0x0]  }
0xf4: {  	v17 =	vand.u32 $0x1000000, v14;
	s26 =	sor.u32 s22, s25;
	v3 =	vsel vm0, $0x0, v3  }
0xf5: {  	vm0 =	veq.s32 v17, $0x0;
	v2 =	vadd.f32 v2, v3;
	v3 =	vld [tilespmem:s26+$0x0]  }
0xf6: {  	v17 =	vand.u32 $0x1, v15;
	s26 =	sor.u32 s24, s25;
	v16 =	vsel vm0, $0x0, v16  }
0xf7: {  	vm0 =	veq.s32 v17, $0x0;
	v2 =	vadd.f32 v2, v16;
	v16 =	vld [tilespmem:s26+$0x0]  }
0xf8: {  	s25 =	sor.u32 s16, s25;
	v17 =	vand.u32 $0x100, v15;
	v4 =	vsel vm0, $0x0, v4;
	v18 =	vld [tilespmem:s15+$0x9200]  }
0xf9: {  	vm0 =	veq.s32 v17, $0x0;
	v2 =	vadd.f32 v4, v2;
	v4 =	vld [tilespmem:s25+$0x0];
	s25 =	sor.u32 $0x4200, s23  }
0xfa: {  	v17 =	vand.u32 $0x10000, v15;
	v3 =	vsel vm0, $0x0, v3;
	s26 =	sor.u32 s21, s25  }
0xfb: {  	vm0 =	veq.s32 v17, $0x0;
	v2 =	vadd.f32 v2, v3;
	v3 =	vld [tilespmem:s26+$0x0]  }
0xfc: {  	v17 =	vand.u32 $0x1000000, v15;
	s26 =	sor.u32 s22, s25;
	v16 =	vsel vm0, $0x0, v16  }
0xfd: {  	vm0 =	veq.s32 v17, $0x0;
	v2 =	vadd.f32 v2, v16;
	v16 =	vld [tilespmem:s26+$0x0]  }
0xfe: {  	v17 =	vand.u32 $0x1, v18;
	s26 =	sor.u32 s24, s25;
	v4 =	vsel vm0, $0x0, v4  }
0xff: {  	vm0 =	veq.s32 v17, $0x0;
	v2 =	vadd.f32 v2, v4;
	v4 =	vld [tilespmem:s26+$0x0]  }
0x100: {  	v19 =	vand.u32 $0x100, v18;
	s25 =	sor.u32 s16, s25;
	v17 =	vsel vm0, $0x0, v3;
	v3 =	vld [tilespmem:s15+$0x9280]  }
0x101: {  	vm0 =	veq.s32 v19, $0x0;
	v17 =	vadd.f32 v17, v2;
	v19 =	vld [tilespmem:s25+$0x0];
	s25 =	sor.u32 $0x4280, s23  }
0x102: {  	v20 =	vand.u32 $0x10000, v18;
	v16 =	vsel vm0, $0x0, v16;
	s26 =	sor.u32 s21, s25;
	v2 =	vld [tilespmem:s15+$0x9380]  }
0x103: {  	vm0 =	veq.s32 v20, $0x0;
	v16 =	vadd.f32 v17, v16;
	v17 =	vld [tilespmem:s26+$0x0]  }
0x104: {  	v20 =	vand.u32 $0x1000000, v18;
	s26 =	sor.u32 s22, s25;
	v4 =	vsel vm0, $0x0, v4  }
0x105: {  	vm0 =	veq.s32 v20, $0x0;
	v16 =	vadd.f32 v16, v4;
	v20 =	vld [tilespmem:s26+$0x0]  }
0x106: {  	v21 =	vand.u32 $0x1, v3;
	s26 =	sor.u32 s24, s25;
	v19 =	vsel vm0, $0x0, v19;
	v4 =	vld [tilespmem:s15+$0x9300]  }
0x107: {  	vm0 =	veq.s32 v21, $0x0;
	v19 =	vadd.f32 v16, v19;
	v21 =	vld [tilespmem:s26+$0x0];
	v22 =	vand.u32 $0x1000000, v2  }
0x108: {  	v23 =	vand.u32 $0x100, v3;
	s15 =	sor.u32 s16, s25;
	v16 =	vand.u32 $0x10000, v2;
	v17 =	vsel vm0, $0x0, v17  }
0x109: {  	s25 =	sor.u32 $0x4300, s23;
	vm0 =	veq.s32 v23, $0x0;
	v19 =	vadd.f32 v17, v19;
	v23 =	vld [tilespmem:s15+$0x0];
	v17 =	vand.u32 $0x100, v2  }
0x10a: {  	v24 =	vand.u32 $0x10000, v3;
	v25 =	vand.u32 $0x1, v2;
	s15 =	sor.u32 s21, s25;
	v20 =	vsel vm0, $0x0, v20  }
0x10b: {  	s17 =	sadd.s32 $0x80, s17;
	s18 =	sadd.s32 $0x10, s18;
	vm0 =	veq.s32 v24, $0x0;
	v19 =	vadd.f32 v19, v20;
	v20 =	vld [tilespmem:s15+$0x0];
	v24 =	vand.u32 $0x1000000, v4  }
0x10c: {  	v1 =	vadd.s32 v1, v5;
	s26 =	sand.u32 $0xC00, s17;
	s28 =	sor.u32 s22, s25;
	s15 =	sand.u32 $0x70, s18;
	v5 =	vsel vm0, $0x0, v21;
	v21 =	vand.u32 $0x1000000, v3  }
0x10d: {  	v6 =	vadd.s32 v6, v1;
	s15 =	sor.u32 s15, s26;
	v5 =	vadd.f32 v19, v5;
	vm0 =	veq.s32 v21, $0x0;
	v19 =	vld [tilespmem:s28+$0x0]  }
0x10e: {  	v6 =	vadd.s32 v7, v6;
	s26 =	sor.u32 s24, s25;
	v21 =	vand.u32 $0x1, v4;
	v1 =	vld [tilespmem:s15+$0x8000];
	v7 =	vsel vm0, $0x0, v23  }
0x10f: {  	v6 =	vadd.s32 v8, v6;
	vm0 =	veq.s32 v21, $0x0;
	v5 =	vadd.f32 v5, v7;
	v7 =	vld [tilespmem:s26+$0x0]  }
0x110: {  	v6 =	vadd.s32 v9, v6;
	v9 =	vand.u32 $0x100, v4;
	s25 =	sor.u32 s16, s25;
	v8 =	vsel vm0, $0x0, v20  }
0x111: {  	v6 =	vadd.s32 v10, v6;
	s23 =	sor.u32 $0x4380, s23;
	vm0 =	veq.s32 v9, $0x0;
	v5 =	vadd.f32 v8, v5;
	v10 =	vld [tilespmem:s25+$0x0]  }
0x112: {  	v6 =	vadd.s32 v11, v6;
	s21 =	sor.u32 s21, s23;
	v9 =	vand.u32 $0x10000, v4;
	v8 =	vsel vm0, $0x0, v19  }
.Ltmp0:
0x113: {  	v6 =	vadd.s32 v12, v6;
	vm0 =	veq.s32 v9, $0x0;
	v11 =	vadd.f32 v5, v8;
	v8 =	vld [tilespmem:s21+$0x0];
	s21 =	sor.u32 s24, s23;
	(pc) =	sbr.rel @p1 .LBB2_3-.Ltmp0, $4  }
0x114: {  	s22 =	sor.u32 s22, s23;
	v9 =	vadd.s32 v13, v6;
	v5 =	vand.u32 $0x1, v1;
	v7 =	vsel vm0, $0x0, v7;
	v6 =	vld [tilespmem:s21+$0x0]  }
0x115: {  	v12 =	vadd.s32 v14, v9;
	vm0 =	veq.s32 v24, $0x0;
	v11 =	vadd.f32 v11, v7;
	v9 =	vld [tilespmem:s22+$0x0]  }
0x116: {  	v7 =	vadd.s32 v15, v12;
	v10 =	vsel vm0, $0x0, v10;
	vm0 =	veq.s32 v22, $0x0  }
0x117: {  	s20 =	sadd.s32 $0x200, s20;
	vm1 =	veq.s32 v25, $0x0;
	v7 =	vadd.s32 v18, v7;
	v10 =	vadd.f32 v11, v10  }
0x118: {  	v8 =	vsel vm1, $0x0, v8;
	s20 =	sor.u32 s16, s23;
	s14 =	sadd.s32 $0x40, s14  }
0x119: {  	s21 =	sand.u32 $0x3C00, s19;
	vm11 =	veq.s32 v17, $0x0;
	s16 =	sand.u32 $0x40, s14;
	v8 =	vadd.f32 v8, v10;
	v20 =	vld [tilespmem:s20+$0x0]  }
0x11a: {  	s25 =	sor.u32 s16, s21;
	v9 =	vsel vm11, $0x0, v9  }
0x11b: {  	vm12 =	veq.s32 v16, $0x0;
	s20 =	sor.u32 $0x10, s16;
	v11 =	vld [tilespmem:s25+$0x0];
	v8 =	vadd.f32 v8, v9  }
0x11c: {  	v6 =	vsel vm12, $0x0, v6;
	s26 =	sor.u32 s20, s21  }
0x11d: {  	s22 =	sor.u32 $0x20, s16;
	v21 =	vld [tilespmem:s26+$0x0];
	v6 =	vadd.f32 v8, v6  }
0x11e: {  	s31 =	sor.u32 s22, s21;
	v22 =	vsel vm0, $0x0, v20  }
0x11f: {  	vm13 =	veq.s32 v5, $0x0;
	s14 =	sor.u32 $0x30, s16;
	v23 =	vld [tilespmem:s31+$0x0];
	v6 =	vadd.f32 v6, v22  }
0x120: {  	v25 =	vand.u32 $0x100, v1;
	v5 =	vld [tilespmem:s15+$0x8080];
	s24 =	sor.u32 s14, s21;
	v24 =	vsel vm13, $0x0, v11  }
0x121: {  	vm14 =	veq.s32 v25, $0x0;
	v26 =	vld [tilespmem:s24+$0x0];
	v6 =	vadd.f32 v24, v6  }
0x122: {  	v27 =	vand.u32 $0x10000, v1;
	v9 =	vsel vm14, $0x0, v21  }
0x123: {  	vm15 =	veq.s32 v27, $0x0;
	v28 =	vld [tilespmem:s25+$0x80];
	v6 =	vadd.f32 v6, v9  }
0x124: {  	v29 =	vand.u32 $0x1000000, v1;
	v10 =	vsel vm15, $0x0, v23  }
0x125: {  	vm4 =	veq.s32 v29, $0x0;
	v30 =	vld [tilespmem:s26+$0x80];
	v6 =	vadd.f32 v6, v10  }
0x126: {  	v31 =	vand.u32 $0x1, v5;
	v8 =	vsel vm4, $0x0, v26  }
0x127: {  	v32 =	vld [tilespmem:s31+$0x80];
	vm5 =	veq.s32 v31, $0x0;
	v8 =	vadd.f32 v6, v8  }
0x128: {  	v33 =	vld [tilespmem:s24+$0x80];
	v12 =	vand.u32 $0x100, v5;
	v9 =	vsel vm5, $0x0, v28  }
0x129: {  	vm6 =	veq.s32 v12, $0x0;
	v6 =	vld [tilespmem:s15+$0x8100];
	v8 =	vadd.f32 v9, v8  }
0x12a: {  	v34 =	vand.u32 $0x10000, v5;
	v10 =	vsel vm6, $0x0, v30  }
0x12b: {  	v35 =	vld [tilespmem:s25+$0x100];
	vm7 =	veq.s32 v34, $0x0;
	v8 =	vadd.f32 v8, v10  }
0x12c: {  	v36 =	vand.u32 $0x1000000, v5;
	v11 =	vsel vm7, $0x0, v32  }
0x12d: {  	v37 =	vld [tilespmem:s26+$0x100];
	vm8 =	veq.s32 v36, $0x0;
	v8 =	vadd.f32 v8, v11  }
0x12e: {  	v9 =	vsel vm8, $0x0, v33;
	v38 =	vand.u32 $0x1, v6  }
0x12f: {  	v39 =	vld [tilespmem:s31+$0x100];
	vm9 =	veq.s32 v38, $0x0;
	v9 =	vadd.f32 v8, v9  }
0x130: {  	v40 =	vld [tilespmem:s24+$0x100];
	v13 =	vand.u32 $0x100, v6;
	v10 =	vsel vm9, $0x0, v35  }
0x131: {  	vm10 =	veq.s32 v13, $0x0;
	v8 =	vld [tilespmem:s15+$0x8180];
	v9 =	vadd.f32 v10, v9  }
0x132: {  	v41 =	vand.u32 $0x10000, v6;
	v11 =	vsel vm10, $0x0, v37  }
0x133: {  	v42 =	vld [tilespmem:s25+$0x180];
	vm11 =	veq.s32 v41, $0x0;
	v9 =	vadd.f32 v9, v11  }
0x134: {  	v43 =	vand.u32 $0x1000000, v6;
	v12 =	vsel vm11, $0x0, v39  }
0x135: {  	v44 =	vld [tilespmem:s26+$0x180];
	vm12 =	veq.s32 v43, $0x0;
	v9 =	vadd.f32 v9, v12  }
0x136: {  	p0 =	por !p0, !p0;
	s25 =	simm.s32 $0x1;
	v10 =	vsel vm12, $0x0, v40;
	v45 =	vand.u32 $0x1, v8  }
0x137: {  	s25 =	simm.s32 @!p0 $0x0;
	v46 =	vld [tilespmem:s31+$0x180];
	vm13 =	veq.s32 v45, $0x0;
	v10 =	vadd.f32 v9, v10  }
0x138: {  	v47 =	vld [tilespmem:s24+$0x180];
	s28 =	sshll.u32 s25, $0x6;
	v14 =	vand.u32 $0x100, v8;
	v11 =	vsel vm13, $0x0, v42  }
0x139: {  	s19 =	sadd.s32 s28, s19;
	vm14 =	veq.s32 v14, $0x0;
	v9 =	vld [tilespmem:s15+$0x8200];
	v10 =	vadd.f32 v11, v10  }
0x13a: {  	s23 =	sor.u32 $0x200, s19;
	v48 =	vand.u32 $0x10000, v8;
	v12 =	vsel vm14, $0x0, v44  }
0x13b: {  	v49 =	vld [tilespmem:s23+$0x0];
	s23 =	sadd.s32 $0x10, s19;
	vm15 =	veq.s32 v48, $0x0;
	v10 =	vadd.f32 v10, v12  }
0x13c: {  	s29 =	sor.u32 $0x200, s23;
	v50 =	vand.u32 $0x1000000, v8;
	v13 =	vsel vm15, $0x0, v46  }
0x13d: {  	s24 =	sadd.s32 $0x20, s19;
	v51 =	vld [tilespmem:s29+$0x0];
	vm4 =	veq.s32 v50, $0x0;
	v10 =	vadd.f32 v10, v13  }
0x13e: {  	s25 =	sadd.s32 $0x30, s19;
	s30 =	sor.u32 $0x200, s24;
	v11 =	vsel vm4, $0x0, v47;
	v52 =	vand.u32 $0x1, v9  }
0x13f: {  	s31 =	sor.u32 $0x200, s25;
	v53 =	vld [tilespmem:s30+$0x0];
	vm5 =	veq.s32 v52, $0x0;
	v11 =	vadd.f32 v10, v11  }
0x140: {  	v54 =	vld [tilespmem:s31+$0x0];
	v15 =	vand.u32 $0x100, v9;
	v12 =	vsel vm5, $0x0, v49  }
0x141: {  	vm6 =	veq.s32 v15, $0x0;
	v10 =	vld [tilespmem:s15+$0x8280];
	v11 =	vadd.f32 v12, v11  }
0x142: {  	s28 =	sor.u32 $0x280, s19;
	v55 =	vand.u32 $0x10000, v9;
	v13 =	vsel vm6, $0x0, v51  }
0x143: {  	v56 =	vld [tilespmem:s28+$0x0];
	vm7 =	veq.s32 v55, $0x0;
	v11 =	vadd.f32 v11, v13  }
0x144: {  	s29 =	sor.u32 $0x280, s23;
	v57 =	vand.u32 $0x1000000, v9;
	v14 =	vsel vm7, $0x0, v53  }
0x145: {  	v58 =	vld [tilespmem:s29+$0x0];
	vm8 =	veq.s32 v57, $0x0;
	v11 =	vadd.f32 v11, v14  }
0x146: {  	s30 =	sor.u32 $0x280, s24;
	v12 =	vsel vm8, $0x0, v54;
	v59 =	vand.u32 $0x1, v10  }
0x147: {  	s31 =	sor.u32 $0x280, s25;
	v60 =	vld [tilespmem:s30+$0x0];
	vm9 =	veq.s32 v59, $0x0;
	v12 =	vadd.f32 v11, v12  }
0x148: {  	v62 =	vld [tilespmem:s31+$0x0];
	v61 =	vand.u32 $0x100, v10;
	v13 =	vsel vm9, $0x0, v56  }
0x149: {  	vm10 =	veq.s32 v61, $0x0;
	v11 =	vld [tilespmem:s15+$0x8300];
	v12 =	vadd.f32 v13, v12  }
0x14a: {  	s28 =	sor.u32 $0x300, s19;
	v63 =	vand.u32 $0x10000, v10;
	v14 =	vsel vm10, $0x0, v58  }
0x14b: {  	v20 =	vld [tilespmem:s28+$0x0];
	vm11 =	veq.s32 v63, $0x0;
	v12 =	vadd.f32 v12, v14  }
0x14c: {  	s29 =	sor.u32 $0x300, s23;
	v21 =	vand.u32 $0x1000000, v10;
	v15 =	vsel vm11, $0x0, v60  }
0x14d: {  	v22 =	vld [tilespmem:s29+$0x0];
	vm12 =	veq.s32 v21, $0x0;
	v12 =	vadd.f32 v12, v15  }
0x14e: {  	s30 =	sor.u32 $0x300, s24;
	v13 =	vsel vm12, $0x0, v62;
	v23 =	vand.u32 $0x1, v11  }
0x14f: {  	s17 =	sor.u32 s17, s18;
	s31 =	sor.u32 $0x300, s25;
	v24 =	vld [tilespmem:s30+$0x0];
	vm13 =	veq.s32 v23, $0x0;
	v13 =	vadd.f32 v12, v13  }
0x150: {  	s17 =	sor.u32 $0x380, s17;
	v26 =	vld [tilespmem:s31+$0x0];
	v25 =	vand.u32 $0x100, v11;
	v14 =	vsel vm13, $0x0, v20  }
0x151: {  	vm14 =	veq.s32 v25, $0x0;
	v12 =	vld [tilespmem:s17+$0x8000];
	v13 =	vadd.f32 v14, v13  }
0x152: {  	s19 =	sor.u32 $0x380, s19;
	v27 =	vand.u32 $0x10000, v11;
	v15 =	vsel vm14, $0x0, v22  }
0x153: {  	v28 =	vld [tilespmem:s19+$0x0];
	vm15 =	veq.s32 v27, $0x0;
	v13 =	vadd.f32 v13, v15  }
0x154: {  	s23 =	sor.u32 $0x380, s23;
	v29 =	vand.u32 $0x1000000, v11;
	v16 =	vsel vm15, $0x0, v24  }
0x155: {  	v30 =	vld [tilespmem:s23+$0x0];
	vm4 =	veq.s32 v29, $0x0;
	v13 =	vadd.f32 v13, v16  }
0x156: {  	s24 =	sor.u32 $0x380, s24;
	v14 =	vsel vm4, $0x0, v26;
	v31 =	vand.u32 $0x1, v12  }
0x157: {  	s25 =	sor.u32 $0x380, s25;
	v32 =	vld [tilespmem:s24+$0x0];
	vm5 =	veq.s32 v31, $0x0;
	v14 =	vadd.f32 v13, v14  }
0x158: {  	v33 =	vld [tilespmem:s25+$0x0];
	v18 =	vand.u32 $0x100, v12;
	v15 =	vsel vm5, $0x0, v28  }
0x159: {  	s26 =	sor.u32 $0x4000, s21;
	vm6 =	veq.s32 v18, $0x0;
	v13 =	vld [tilespmem:s15+$0x9000];
	v14 =	vadd.f32 v15, v14  }
0x15a: {  	s28 =	sor.u32 s16, s26;
	v34 =	vand.u32 $0x10000, v12;
	v16 =	vsel vm6, $0x0, v30  }
0x15b: {  	v35 =	vld [tilespmem:s28+$0x0];
	vm7 =	veq.s32 v34, $0x0;
	v14 =	vadd.f32 v14, v16  }
0x15c: {  	s29 =	sor.u32 s20, s26;
	v36 =	vand.u32 $0x1000000, v12;
	v17 =	vsel vm7, $0x0, v32  }
0x15d: {  	v37 =	vld [tilespmem:s29+$0x0];
	vm8 =	veq.s32 v36, $0x0;
	v14 =	vadd.f32 v14, v17  }
0x15e: {  	s30 =	sor.u32 s22, s26;
	v15 =	vsel vm8, $0x0, v33;
	v38 =	vand.u32 $0x1, v13  }
0x15f: {  	v39 =	vld [tilespmem:s30+$0x0];
	s17 =	sor.u32 s14, s26;
	vm9 =	veq.s32 v38, $0x0;
	v15 =	vadd.f32 v14, v15  }
0x160: {  	v40 =	vld [tilespmem:s17+$0x0];
	v19 =	vand.u32 $0x100, v13;
	v16 =	vsel vm9, $0x0, v35  }
0x161: {  	s31 =	sor.u32 $0x4080, s21;
	vm10 =	veq.s32 v19, $0x0;
	v14 =	vld [tilespmem:s15+$0x9080];
	v15 =	vadd.f32 v16, v15  }
0x162: {  	s19 =	sor.u32 s16, s31;
	v41 =	vand.u32 $0x10000, v13;
	v17 =	vsel vm10, $0x0, v37  }
0x163: {  	v42 =	vld [tilespmem:s19+$0x0];
	vm11 =	veq.s32 v41, $0x0;
	v15 =	vadd.f32 v15, v17  }
0x164: {  	s23 =	sor.u32 s20, s31;
	v43 =	vand.u32 $0x1000000, v13;
	v18 =	vsel vm11, $0x0, v39  }
0x165: {  	v44 =	vld [tilespmem:s23+$0x0];
	vm12 =	veq.s32 v43, $0x0;
	v15 =	vadd.f32 v15, v18  }
0x166: {  	s24 =	sor.u32 s22, s31;
	v16 =	vsel vm12, $0x0, v40;
	v45 =	vand.u32 $0x1, v14  }
0x167: {  	v46 =	vld [tilespmem:s24+$0x0];
	s17 =	sor.u32 s14, s31;
	vm13 =	veq.s32 v45, $0x0;
	v16 =	vadd.f32 v15, v16  }
0x168: {  	v47 =	vld [tilespmem:s17+$0x0];
	v20 =	vand.u32 $0x100, v14;
	v17 =	vsel vm13, $0x0, v42  }
0x169: {  	s25 =	sor.u32 $0x4100, s21;
	vm14 =	veq.s32 v20, $0x0;
	v15 =	vld [tilespmem:s15+$0x9100];
	v16 =	vadd.f32 v17, v16  }
0x16a: {  	s26 =	sor.u32 s16, s25;
	v48 =	vand.u32 $0x10000, v14;
	v18 =	vsel vm14, $0x0, v44  }
0x16b: {  	v49 =	vld [tilespmem:s26+$0x0];
	vm15 =	veq.s32 v48, $0x0;
	v16 =	vadd.f32 v16, v18  }
0x16c: {  	s28 =	sor.u32 s20, s25;
	v50 =	vand.u32 $0x1000000, v14;
	v19 =	vsel vm15, $0x0, v46  }
0x16d: {  	v51 =	vld [tilespmem:s28+$0x0];
	vm4 =	veq.s32 v50, $0x0;
	v16 =	vadd.f32 v16, v19  }
0x16e: {  	s29 =	sor.u32 s22, s25;
	v17 =	vsel vm4, $0x0, v47;
	v52 =	vand.u32 $0x1, v15  }
0x16f: {  	v53 =	vld [tilespmem:s29+$0x0];
	s17 =	sor.u32 s14, s25;
	vm5 =	veq.s32 v52, $0x0;
	v17 =	vadd.f32 v16, v17  }
0x170: {  	v54 =	vld [tilespmem:s17+$0x0];
	v21 =	vand.u32 $0x100, v15;
	v18 =	vsel vm5, $0x0, v49  }
0x171: {  	s30 =	sor.u32 $0x4180, s21;
	vm6 =	veq.s32 v21, $0x0;
	v16 =	vld [tilespmem:s15+$0x9180];
	v17 =	vadd.f32 v18, v17  }
0x172: {  	s31 =	sor.u32 s16, s30;
	v55 =	vand.u32 $0x10000, v15;
	v19 =	vsel vm6, $0x0, v51  }
0x173: {  	v56 =	vld [tilespmem:s31+$0x0];
	vm7 =	veq.s32 v55, $0x0;
	v17 =	vadd.f32 v17, v19  }
0x174: {  	s19 =	sor.u32 s20, s30;
	v57 =	vand.u32 $0x1000000, v15;
	v20 =	vsel vm7, $0x0, v53  }
0x175: {  	v58 =	vld [tilespmem:s19+$0x0];
	vm8 =	veq.s32 v57, $0x0;
	v17 =	vadd.f32 v17, v20  }
0x176: {  	s23 =	sor.u32 s22, s30;
	v18 =	vsel vm8, $0x0, v54;
	v59 =	vand.u32 $0x1, v16  }
0x177: {  	v60 =	vld [tilespmem:s23+$0x0];
	vm9 =	veq.s32 v59, $0x0;
	v17 =	vadd.f32 v17, v18  }
0x178: {  	v22 =	vld [tilespmem:s15+$0x9200];
	s17 =	sor.u32 s14, s30;
	v61 =	vand.u32 $0x100, v16;
	v19 =	vsel vm9, $0x0, v56  }
0x179: {  	s24 =	sor.u32 $0x4200, s21;
	v62 =	vld [tilespmem:s17+$0x0];
	vm10 =	veq.s32 v61, $0x0;
	v17 =	vadd.f32 v19, v17  }
0x17a: {  	s25 =	sor.u32 s16, s24;
	v63 =	vand.u32 $0x10000, v16;
	v20 =	vsel vm10, $0x0, v58  }
0x17b: {  	v3 =	vadd.s32 v3, v7;
	v24 =	vld [tilespmem:s25+$0x0];
	vm11 =	veq.s32 v63, $0x0;
	v23 =	vadd.f32 v17, v20  }
0x17c: {  	v3 =	vadd.s32 v4, v3;
	s26 =	sor.u32 s20, s24;
	v26 =	vand.u32 $0x1000000, v16;
	v25 =	vsel vm11, $0x0, v60  }
0x17d: {  	v2 =	vadd.s32 v2, v3;
	v27 =	vld [tilespmem:s26+$0x0];
	vm12 =	veq.s32 v26, $0x0;
	v3 =	vadd.f32 v23, v25  }
0x17e: {  	v1 =	vadd.s32 v1, v5;
	s28 =	sor.u32 s22, s24;
	v29 =	vand.u32 $0x1, v22;
	v18 =	vsel vm12, $0x0, v62  }
0x17f: {  	v31 =	vld [tilespmem:s28+$0x0];
	v28 =	vand.u32 $0xFF, v2;
	vm13 =	veq.s32 v29, $0x0;
	v3 =	vadd.f32 v3, v18  }
0x180: {  	s17 =	sor.u32 s14, s24;
	v34 =	vld [tilespmem:s15+$0x9280];
	v30 =	vshrl.u32 v2, $0x10;
	v33 =	vand.u32 $0x100, v22;
	v32 =	vsel vm13, $0x0, v24  }
0x181: {  	s29 =	sor.u32 $0x4280, s21;
	v36 =	vld [tilespmem:s17+$0x0];
	v0 =	vadd.s32 v0, v28;
	vm14 =	veq.s32 v33, $0x0;
	v3 =	vadd.f32 v32, v3  }
0x182: {  	s30 =	sor.u32 s16, s29;
	v35 =	vshrl.u32 v2, $0x8;
	v37 =	vand.u32 $0x10000, v22;
	v4 =	vsel vm14, $0x0, v27  }
0x183: {  	v38 =	vld [tilespmem:s30+$0x0];
	v2 =	vshrl.u32 v2, $0x18;
	vm15 =	veq.s32 v37, $0x0;
	v3 =	vadd.f32 v3, v4  }
0x184: {  	s31 =	sor.u32 s20, s29;
	v39 =	vand.u32 $0x1000000, v22;
	v0 =	vadd.s32 v2, v0;
	v2 =	vsel vm15, $0x0, v31  }
0x185: {  	v1 =	vadd.s32 v6, v1;
	vm4 =	veq.s32 v39, $0x0;
	v2 =	vadd.f32 v3, v2;
	v3 =	vld [tilespmem:s31+$0x0]  }
0x186: {  	v1 =	vadd.s32 v8, v1;
	s19 =	sor.u32 s22, s29;
	v41 =	vand.u32 $0x1, v34;
	v7 =	vsel vm4, $0x0, v36  }
0x187: {  	v1 =	vadd.s32 v9, v1;
	v42 =	vld [tilespmem:s19+$0x0];
	vm5 =	veq.s32 v41, $0x0;
	v2 =	vadd.f32 v2, v7  }
0x188: {  	v1 =	vadd.s32 v10, v1;
	s23 =	sor.u32 s14, s29;
	v43 =	vld [tilespmem:s15+$0x9300];
	v45 =	vand.u32 $0x100, v34;
	v4 =	vsel vm5, $0x0, v38  }
0x189: {  	v1 =	vadd.s32 v11, v1;
	s24 =	sor.u32 $0x4300, s21;
	v47 =	vld [tilespmem:s23+$0x0];
	vm6 =	veq.s32 v45, $0x0;
	v2 =	vadd.f32 v4, v2  }
0x18a: {  	s25 =	sor.u32 s16, s24;
	v1 =	vadd.s32 v12, v1;
	v24 =	vand.u32 $0x10000, v34;
	v3 =	vsel vm6, $0x0, v3  }
0x18b: {  	v1 =	vadd.s32 v13, v1;
	vm7 =	veq.s32 v24, $0x0;
	v2 =	vadd.f32 v2, v3;
	v3 =	vld [tilespmem:s25+$0x0]  }
0x18c: {  	s26 =	sor.u32 s20, s24;
	v40 =	vand.u32 $0xFF, v30;
	v50 =	vand.u32 $0x1000000, v34;
	v49 =	vsel vm7, $0x0, v42  }
0x18d: {  	v1 =	vadd.s32 v14, v1;
	v51 =	vld [tilespmem:s26+$0x0];
	vm8 =	veq.s32 v50, $0x0;
	v2 =	vadd.f32 v2, v49  }
0x18e: {  	s28 =	sor.u32 s22, s24;
	v1 =	vadd.s32 v15, v1;
	v52 =	vand.u32 $0x1, v43;
	v4 =	vsel vm8, $0x0, v47  }
0x18f: {  	v21 =	vand.u32 $0xFF, v35;
	v53 =	vld [tilespmem:s28+$0x0];
	vm9 =	veq.s32 v52, $0x0;
	v2 =	vadd.f32 v2, v4  }
0x190: {  	v55 =	vand.u32 $0x10000, v43;
	v54 =	vand.u32 $0x100, v43;
	v23 =	vld [tilespmem:s15+$0x9380];
	s15 =	sor.u32 s14, s24;
	v3 =	vsel vm9, $0x0, v3  }
0x191: {  	s29 =	sor.u32 $0x4380, s21;
	v57 =	vand.u32 $0x1000000, v43;
	vm10 =	veq.s32 v54, $0x0;
	v2 =	vadd.f32 v3, v2;
	v3 =	vld [tilespmem:s15+$0x0]  }
0x192: {  	s16 =	sor.u32 s16, s29;
	v0 =	vadd.s32 v21, v0;
	v1 =	vadd.s32 v16, v1;
	v5 =	vsel vm10, $0x0, v51  }
0x193: {  	v1 =	vadd.s32 v22, v1;
	vm11 =	veq.s32 v55, $0x0;
	v56 =	vld [tilespmem:s16+$0x0];
	v2 =	vadd.f32 v2, v5  }
0x194: {  	v0 =	vadd.s32 v40, v0;
	v1 =	vadd.s32 v34, v1;
	s31 =	sor.u32 s20, s29;
	v4 =	vsel vm11, $0x0, v53  }
0x195: {  	vm12 =	veq.s32 v57, $0x0;
	v1 =	vadd.s32 v43, v1;
	v59 =	vld [tilespmem:s31+$0x0];
	v2 =	vadd.f32 v2, v4  }
0x196: {  	s30 =	sor.u32 s22, s29;
	v44 =	vand.u32 $0x1000000, v23;
	v25 =	vand.u32 $0x1, v23;
	v3 =	vsel vm12, $0x0, v3  }
0x197: {  	v58 =	vld [tilespmem:s30+$0x0];
	v46 =	vand.u32 $0x10000, v23;
	vm14 =	veq.s32 v25, $0x0;
	v2 =	vadd.f32 v2, v3  }
0x198: {  	s14 =	sor.u32 s14, s29;
	v48 =	vand.u32 $0x100, v23;
	v1 =	vadd.s32 v23, v1;
	v3 =	vsel vm14, $0x0, v56  }
0x199: {  	s13 =	sadd.s32 $0x1, s13;
	vm13 =	veq.s32 v44, $0x0;
	vm2 =	veq.s32 v48, $0x0;
	v2 =	vadd.f32 v3, v2;
	v3 =	vld [tilespmem:s14+$0x0]  }
0x19a: {  	p0 =	sne.s32 s13, $0x20;
	vm15 =	veq.s32 v46, $0x0;
	v61 =	vand.u32 $0xFF, v1;
	v4 =	vsel vm2, $0x0, v59  }
.Ltmp1:
0x19b: {  	v62 =	vshrl.u32 v1, $0x10;
	v63 =	vshrl.u32 v1, $0x8;
	v2 =	vadd.f32 v2, v4;
	(pc) =	sbr.rel @p0 .LBB2_2-.Ltmp1, $4  }
0x19c: {  	v1 =	vshrl.u32 v1, $0x18;
	v60 =	vsel vm15, $0x0, v58;
	v0 =	vadd.s32 v0, v61  }
0x19d: {  	v0 =	vadd.s32 v1, v0;
	v4 =	vand.u32 $0xFF, v63;
	v2 =	vadd.f32 v2, v60  }
0x19e: {  	v0 =	vadd.s32 v4, v0;
	v1 =	vsel vm13, $0x0, v3;
	v3 =	vand.u32 $0xFF, v62  }
0x19f: {  	v2 =	vadd.f32 v2, v1;
	v0 =	vadd.s32 v3, v0  }
0x1a0: {  	v0 =	vcvt.s32.f32 v0;
	s12 =	sadd.s32 $0x1, s12  }
0x1a1: {  	[tilespmem:$0xA000] =	vst v2;
	p0 =	sne.s32 s12, s8  }
.Ltmp2:
0x1a2: {  	[tilespmem:$0xA010] =	vst v0;
	(pc) =	sbr.rel @p0 .LBB2_1-.Ltmp2, $4  }
0x1a3: {  	[hbm4b:s7+s2] =	stream.linear.scatter [tilespmem:s11], [sflag:$0x1], $0x20, $0x38;
	[tilespmem:$0xA080] =	vst v63  }
0x1a4: {  	_ =	swait.ge [sflag:s9], $0x20  }
0x1a5: {  	[sflag:s9] =	ssyncset.done $0x0  }
0x1a6: {  	[sflag:s9] =	ssyncadd.s32 $0xFFFFFFE0  }
0x1a7: {  	_ =	sfence.sel $0x180000  }
0x1a8: {  	[bflag:$0x0] =	sbarrier.arrive $0xFFFF  }
0x1a9: {  	p0 =	sne.s32 s1, $0x0;
	_ =	strace $0x9000004A  }
0x1aa: {  	s0 =	sadd.s32 @!p0 $0x100000, s0;
	[bflag:$0x2] =	sbarrier.arrive $0xFFFF  }
0x1ab: {  	[sflag:s0] =	ssyncadd.tile.s32 @!p0 $0x1;
	_ =	shalt  }
.Lfunc_end2:
_tile_overlayer_lowered:
.L_overlay_start_2:
0x1ac: {  	(tag) =	ssettag $0x2  }
0x1ad: {  	s0 =	rddreg [dreg:$0x0];
	s2 =	stileid.u32  }
0x1ae: {  	s1 =	rddreg [dreg:$0x1];
	p0 =	sne.s32 s2, $0x0  }
0x1af: {  	s3 =	rddreg [dreg:$0x2];
	[bflag:$0x3] =	sbarrier.arrive $0xFFFF;
	s2 =	simm.s32 @!p0 $0x1C01  }
0x1b0: {  	[timem:s3], [sflag:s2] =	dma.local @!p0 [hbm:s0], s1  }
0x1b1: {  	s0 =	simm.s32 @!p0 $0x1  }
0x1b2: {  	_ =	swait.ge @!p0 [sflag:s0], s1  }
0x1b3: {  	s1 =	ssub.s32 @!p0 $0x0, s1;
	[sflag:s0] =	ssyncset.done @!p0 $0x0  }
0x1b4: {  	[sflag:s0] =	ssyncadd.s32 @!p0 s1  }
0x1b5: {  	[bflag:$0x3] =	sbarrier.arrive $0xFFFF  }
0x1b6: {  	_ =	shalt  }

// kernel: sparse-core-data-format-call.cloned.1.call-start
scs
called_computation_lowered:
.L_overlay_start_0:
0x0: {  	s1 =	sld [smem:$0x3FD9]  }
0x1: {  	s2 =	sld [smem:$0x3FFE];
	_ =	sdelay $0x1  }
0x2: {  	s3 =	srdreg.scid  }
0x3: {  	s0 =	sand.u32 $0x1, s3  }
0x4: {  	s17 =	sshll.u32 s0, $0xA;
	s1 =	sadd.s32 s2, s1  }
0x5: {  	s1 =	sadd.s32 s1, s17  }
0x6: {  	[smem:$0x3FC6] =	sst s1  }
0x7: {  	_ = 	snop  }
0x8: {  	(tm) =	ssettm $0x1  }
0x9: {  	s18 =	sld [smem:$0x3FFB];
	_ =	sdelay $0x3  }
0xa: {  	_ =	strace s18  }
0xb: {  	s1 =	sld [smem:$0x3FFC];
	_ =	sdelay $0x3  }
0xc: {  	_ =	strace s1  }
0xd: {  	s1 =	sld [smem:$0x3FFD];
	_ =	sdelay $0x3  }
0xe: {  	_ =	strace s1  }
0xf: {  	_ =	strace $0x8FFFFFFF  }
0x10: {  	s19 =	sld [smem:$0x3FDB];
	_ =	sdelay $0x1  }
0x11: {  	s20 =	simm.s32 $_scs_section_size  }
0x12: {  	s4 =	simm.s32 $_size__tile_overlayer_lowered;
	s5 =	simm.s32 $_tile_overlayer_lowered  }
0x13: {  	s23 =	simm.s32 $0x1BFF;
	s22 =	sshll.u32 s5, $0x1;
	s1 =	sadd.s32 s20, s19  }
0x14: {  	s6 =	simm.s32 $0x0;
	s21 =	sshll.u32 s4, $0x1;
	s4 =	sadd.s32 s22, s1  }
0x15: {  	[timem:s6], [sflag:s23] =	dma.local [hbm:s4], s21  }
0x16: {  	_ =	swait.ge [sflag:s23], s21  }
0x17: {  	s2 =	ssub.s32 $0x0, s21;
	[sflag:s23] =	ssyncset.done $0x0  }
0x18: {  	[sflag:s23] =	ssyncadd.s32 s2;
	_ =	sdelay $0x1  }
0x19: {  	s24 =	simm.s32 $0x1B8B  }
0x1a: {  	_ =	swait.ge [sflag:s24], $0x1  }
0x1b: {  	[sflag:s24] =	ssyncset.done $0x0  }
0x1c: {  	s26 =	simm.s32 $0x1B8E;
	s25 =	sld [smem:$0x3FFE];
	[sflag:s24] =	ssyncadd.s32 $0xFFFFFFFF  }
0x1d: {  	s27 =	simm.s32 $execute0_lowered;
	[smem:$0x3FD2] =	sst s26  }
0x1e: {  	s4 =	sshll.u32 s27, $0x1;
	_ =	strace $0x80000046;
	[dreg:$0x1] =	wrdreg $0xFFFFFFFF  }
0x1f: {  	s28 =	simm.s32 $_size_execute0_lowered;
	s1 =	sadd.s32 s1, s4;
	[dreg:$0x0] =	wrdreg $0x0  }
0x20: {  	s4 =	sshll.u32 s28, $0x1;
	[dreg:$0x2] =	wrdreg s1  }
0x21: {  	[dreg:$0x3] =	wrdreg s4  }
0x22: {  	[dreg:$0x4] =	wrdreg $0xC0  }
0x23: {  	_ =	task [dreg:s6], $0x5FFFF  }
0x24: {  	[dreg:$0x1] =	wrdreg $0xFFFFFFFF  }
0x25: {  	[dreg:$0x0] =	wrdreg $0x60  }
0x26: {  	[dreg:$0x2] =	wrdreg s25  }
0x27: {  	[dreg:$0x3] =	wrdreg $0x9  }
0x28: {  	_ =	task.clear_ibuf [dreg:s6], $0x4FFFF;
	_ =	strace $0x90000046  }
0x29: {  	s29 =	simm.s32 $0x9;
	_ =	strace $0x80000048  }
0x2a: {  	_ =	swait.ge [sflag:s29], $0x1  }
0x2b: {  	[sflag:s29] =	ssyncadd.s32 $0xFFFFFFFF  }
0x2c: {  	_ =	strace $0x90000048  }
0x2d: {  	_ =	sfence  }
0x2e: {  	s30 =	sld [smem:$0x0];
	_ =	sdelay $0x2  }
0x2f: {  	s31 =	sshll.u32 s3, $0xD;
	s3 =	sshrl.u32 s3, $0x2  }
0x30: {  	s2 =	sand.u32 $0x4000, s31;
	s1 =	sadd.s32 s3, s30  }
0x31: {  	s0 =	sor.u32 s2, s0;
	s1 =	sshll.u32 s1, $0x11  }
0x32: {  	s0 =	sor.u32 s1, s0  }
0x33: {  	s0 =	sadd.s32 $0x8F2B, s0  }
0x34: {  	[sflag:s0] =	ssyncadd.remote.s32 $0x1  }
0x35: {  	_ =	sfence.sel $0xFFFF  }
0x36: {  	[dreg:$0x0] =	wrdreg $0xFFFFFFFF;
	(pc) =	sbr.abs _section_cstart, $3  }
0x37: {  	[dreg:$0x1] =	wrdreg $0xFFFFFFFF  }
0x38: {  	_ =	task.clear_ibuf [dreg:s6], $0x2FFFF;
	_ =	strace $0x9FFFFFFF  }
0x39: {  	(tm) =	ssettm $0x7FFFFFFF  }
tec
execute0_lowered:
.L_overlay_start_1:
0x0: {  	(tag) =	ssettag $0x1  }
0x1: {  	s0 =	stileid.u32;
	s1 =	srdreg.scid  }
0x2: {  	s2 =	sshll.u32 s0, $0x4;
	s1 =	sshll.u32 s1, $0x8  }
0x3: {  	s3 =	rddreg [dreg:$0x0];
	s5 =	simm.s32 $0x1;
	s1 =	sor.u32 s2, s1  }
0x4: {  	s8 =	simm.s32 $0x2;
	s16 =	simm.s32 $0x0;
	s2 =	sand.u32 $0x180, s1  }
0x5: {  	s9 =	simm.s32 $0x4400;
	s14 =	simm.s32 $0x0;
	s4 =	ssub.s32 $0x800, s2  }
0x6: {  	s15 =	simm.s32 $0x0;
	s12 =	simm.s32 $0x0;
	s31 =	sand.u32 $0x180, s4  }
0x7: {  	s13 =	simm.s32 $0x0;
	s7 =	sand.u32 $0x7, s0;
	p0 =	sne.s32 s31, $0x0  }
.Ltmp0:
0x8: {  	s4 =	sshrl.u32 s4, $0x9;
	s5 =	simm.s32 @!p0 $0x0;
	(pc) =	sbr.rel .LBB1_1-.Ltmp0, $4  }
0x9: {  	s11 =	smov.u32 s7;
	s1 =	rddreg [dreg:$0x1];
	s6 =	sadd.s32 s5, s4  }
0xa: {  	_ =	strace $0x80000047;
	s5 =	simm.s32 $0x1;
	s6 =	smul.u32 $0x11, s6  }
0xb: {  	s10 =	smov.u32 s2;
	p0 =	por $0x0, $0x0;
	[sflag:s5] =	ssyncpa.u1 $0x0  }
0xc: {  	s4 =	sadd.s32 $0x400800, s3;
	[sflag:s8] =	ssyncpa.u1 $0x0;
	s8 =	sadd.s32 $0x1, s6  }
.LBB1_4:
0xd: {  	s22 =	sshrl.u32 s16, $0x3  }
0xe: {  	s23 =	sshll.u32 s15, $0x3;
	s22 =	smul.u32 $0x4400, s22  }
0xf: {  	s27 =	sshll.u32 s16, $0x7;
	s23 =	sand.u32 $0xFFFFFC00, s23  }
0x10: {  	v5 =	vld [tilespmem:s20+$0xFFFFFFD0];
	[tilespmem:s19+$0x2040 ss:$0x81] =	vst.msk $0xffff, v4;
	s16 =	sand.u32 $0x380, s27;
	s22 =	sadd.s32 s23, s22  }
0x11: {  	v58 =	vld [tilespmem:s20+$0xFFFFFFE0];
	[tilespmem:s19+$0x2850 ss:$0x81] =	vst.msk $0xffff, v3;
	s28 =	sand.u32 $0x7F, s15;
	s16 =	sor.u32 s16, s22  }
0x12: {  	s21 =	sshra.s32 s21, $0x2;
	v59 =	vld [tilespmem:s20+$0xFFFFFFF0];
	[tilespmem:s19+$0x3060 ss:$0x81] =	vst.msk $0xffff, v2;
	s15 =	sor.u32 s28, s16  }
0x13: {  	v60 =	vld [tilespmem:s20+$0x0];
	[tilespmem:s19+$0x0 ss:$0x81] =	vst.msk $0xffff, v0;
	s18 =	sadd.s32 s21, s18;
	s29 =	smulhi.u32 $0xF0F0F0F1, s15  }
0x14: {  	v61 =	vld [tilespmem:s20+$0x10];
	[tilespmem:s18+$0x3870 ss:$0x81] =	vst.msk $0xffff, v1;
	s16 =	smulhi.u32 $0xF0F0F0F1, s16  }
0x15: {  	v62 =	vld [tilespmem:s20+$0x20];
	[tilespmem:s18+$0x810 ss:$0x81] =	vst.msk $0xffff, v5;
	s19 =	sshrl.u32 s29, $0xB  }
0x16: {  	v63 =	vld [tilespmem:s20+$0xFFFFFFC0];
	[tilespmem:s18+$0x1020 ss:$0x81] =	vst.msk $0xffff, v58;
	s16 =	sshrl.u32 s16, $0xB;
	s19 =	smul.u32 $0x880, s19  }
0x17: {  	s14 =	smul.u32 $0x88000, s14;
	[tilespmem:s18+$0x1830 ss:$0x81] =	vst.msk $0xffff, v59;
	s16 =	sand.u32 $0x7FF, s16  }
0x18: {  	[tilespmem:s18+$0x2040 ss:$0x81] =	vst.msk $0xffff, v60;
	s16 =	smul.u32 $0x110, s16;
	s15 =	ssub.s32 s15, s19  }
0x19: {  	s14 =	sadd.s32 s4, s14;
	[tilespmem:s18+$0x2850 ss:$0x81] =	vst.msk $0xffff, v61;
	s19 =	sand.u32 $0x7, s15  }
0x1a: {  	[tilespmem:s18+$0x3060 ss:$0x81] =	vst.msk $0xffff, v62;
	s14 =	sadd.s32 s16, s14;
	s15 =	sshrl.u32 s15, $0x3;
	s30 =	sshll.u32 s19, $0x12  }
0x1b: {  	[tilespmem:s18+$0x0 ss:$0x81] =	vst.msk $0xffff, v63;
	s14 =	sadd.s32 s15, s14;
	s31 =	sor.u32 $0x400, s30  }
0x1c: {  	[hbm4b:s14+s31] =	stream.strided.scatter [tilespmem:s17], [sflag:$0x2], $0x4000, s9, s31, $0x20;
	[tilespmem:$0x10100] =	vst v63  }
.LBB1_5:
0x1d: {  	s17 =	sadd.s32 $0x200, s10  }
0x1e: {  	s14 =	sadd.s32 $0x8, s11;
	s18 =	smov.u32 s11;
	p2 =	sgt.s32 s17, $0x7FF  }
0x1f: {  	s18 =	smov.u32 @p2 s14  }
0x20: {  	s20 =	smov.u32 s12;
	s14 =	sadd.s32 $0x80, s12;
	p3 =	sgt.s32 s18, $0x7  }
0x21: {  	s20 =	smov.u32 @p3 s14  }
0x22: {  	s17 =	smov.u32 @p2 s2;
	p2 =	sgt.s32 s20, $0x800  }
0x23: {  	p1 =	slt.u32 s13, $0x2;
	s20 =	simm.s32 @p2 $0x0;
	p2 =	sne.s32 s13, s8  }
.Ltmp1:
0x24: {  	s19 =	simm.s32 @!p1 $0x2;
	(pc) =	sbr.rel @!p2 .LBB1_6-.Ltmp1, $4  }
0x25: {  	s16 =	smov.u32 s10;
	s15 =	smov.u32 s12;
	_ =	swait.ge @!p1 [sflag:s19], $0x4000  }
0x26: {  	p0 =	por !p0, !p0;
	[sflag:s19] =	ssyncset.done @!p1 $0x0;
	s10 =	smov.u32 s17  }
0x27: {  	s18 =	smov.u32 @p3 s7;
	s14 =	smov.u32 s11;
	[sflag:s19] =	ssyncadd.s32 @!p1 $0xFFFFC000  }
0x28: {  	s11 =	smov.u32 s18;
	s13 =	sadd.s32 $0x1, s13;
	s12 =	smov.u32 s20  }
.LBB1_1:
0x29: {  	p1 =	sge.u32 s13, s6  }
0x2a: {  	s19 =	smov.u32 s12;
	s31 =	sadd.s32 $0xFFFFFFFF, s13;
	s17 =	sand.u32 @!p1 $0x78, s10  }
0x2b: {  	p2 =	sgt.s32 @!p1 s12, $0x781;
	s18 =	sshll.u32 @!p1 s11, $0x7;
	s20 =	sshra.s32 @!p1 s12, $0x1F  }
0x2c: {  	p2 =	por !p2, p1;
	s18 =	sand.u32 @!p1 $0x380, s18;
	s20 =	sand.u32 @!p1 s20, s12  }
0x2d: {  	s19 =	simm.s32 @p2 $0x781;
	s17 =	sor.u32 @!p1 s18, s17;
	p2 =	sgt.s32 @!p1 s11, $0x7  }
0x2e: {  	s18 =	ssub.s32 @!p1 s19, s20;
	p2 =	por !p2, p1;
	s20 =	smov.u32 s11  }
0x2f: {  	s21 =	sshra.s32 @!p1 s11, $0x1F;
	s19 =	sadd.s32 @!p1 $0xFFFFF87F, s18;
	s20 =	simm.s32 @p2 $0x7  }
0x30: {  	p2 =	sgt.s32 @!p1 s10, $0x780;
	p3 =	sgt.s32 @!p1 s19, $0x7F;
	s19 =	sand.u32 @!p1 s21, s11  }
0x31: {  	s18 =	ssub.s32 @!p1 $0x801, s18;
	p2 =	por !p2, p1;
	s19 =	ssub.s32 @!p1 s20, s19  }
0x32: {  	s21 =	smov.u32 s10;
	p3 =	por !p3, p1;
	s20 =	sadd.s32 @!p1 $0xFFFFFFF9, s19  }
0x33: {  	s21 =	simm.s32 @p2 $0x780;
	p2 =	sgt.s32 @!p1 s20, $0x0;
	s20 =	sshra.s32 @!p1 s10, $0x1F  }
0x34: {  	s19 =	ssub.s32 @!p1 $0x8, s19;
	p2 =	por !p2, p1;
	s20 =	sand.u32 @!p1 s20, s10  }
0x35: {  	s18 =	simm.s32 @!p3 $0x0;
	s19 =	simm.s32 @!p2 $0x0;
	s20 =	ssub.s32 @!p1 s21, s20  }
0x36: {  	s21 =	sxor.u32 @!p1 $0xFFFFFFFF, s13;
	s18 =	smul.u32 @!p1 s18, s19;
	s19 =	sadd.s32 @!p1 $0xFFFFF880, s20  }
0x37: {  	s21 =	sshll.u32 @!p1 s21, $0xE;
	p2 =	sgt.s32 @!p1 s19, $0x7F;
	s19 =	sshll.u32 @!p1 s10, $0x3  }
0x38: {  	s20 =	ssub.s32 @!p1 $0x800, s20;
	s19 =	sand.u32 @!p1 $0x400, s19;
	p2 =	por !p2, p1  }
0x39: {  	s17 =	sor.u32 @!p1 s19, s17;
	s20 =	simm.s32 @!p2 $0x0;
	s19 =	sshll.u32 @!p1 s12, $0xB  }
0x3a: {  	s18 =	smul.u32 @!p1 s20, s18;
	s20 =	sand.u32 @!p1 $0x700, s10;
	s19 =	sadd.s32 @!p1 s3, s19  }
0x3b: {  	s21 =	sand.u32 @!p1 $0x4000, s21;
	s19 =	sadd.s32 @!p1 s20, s19;
	s20 =	sand.u32 @!p1 $0x7, s10  }
0x3c: {  	s17 =	sshrl.u32 @!p1 s17, $0x3;
	s18 =	sand.u32 @!p1 $0x3FFFFFFF, s18;
	s20 =	sshll.u32 @!p1 s20, $0x12  }
0x3d: {  	s17 =	sadd.s32 @!p1 s17, s19;
	s19 =	sor.u32 @!p1 $0x80, s20;
	s20 =	simm.s32 @!p1 $0x4000  }
0x3e: {  	[tilespmem:s21], [sflag:$0x1] =	stream.strided.gather @!p1 [hbm4b:s17+s19], s18, s20, s19, $0x38;
	[tilespmem:$0x10100] =	vst v63  }
0x3f: {  	p1 =	sge.u32 s31, s6  }
.Ltmp2:
0x40: {  	_ = 	snop;
	(pc) =	sbr.rel @p1 .LBB1_5-.Ltmp2, $1  }
0x41: {  	_ =	sdelay $0x3  }
0x42: {  	p1 =	sgt.s32 s15, $0x781;
	s17 =	smov.u32 s15;
	s18 =	sshra.s32 s15, $0x1F  }
0x43: {  	s17 =	simm.s32 @!p1 $0x781;
	s18 =	sand.u32 s18, s15  }
0x44: {  	s17 =	ssub.s32 s17, s18  }
0x45: {  	p2 =	sgt.s32 s14, $0x7;
	s19 =	sshra.s32 s14, $0x1F;
	s18 =	sadd.s32 $0xFFFFF87F, s17  }
0x46: {  	s20 =	sshra.s32 s16, $0x1F;
	p1 =	sgt.s32 s18, $0x7F;
	s18 =	smov.u32 s14  }
0x47: {  	s19 =	sand.u32 s19, s14;
	s20 =	sand.u32 s20, s16;
	s18 =	simm.s32 @!p2 $0x7  }
0x48: {  	p2 =	sgt.s32 s16, $0x780;
	s18 =	ssub.s32 s18, s19;
	s19 =	smov.u32 s16  }
0x49: {  	s17 =	ssub.s32 $0x801, s17;
	s21 =	sadd.s32 $0xFFFFFFF9, s18;
	s19 =	simm.s32 @!p2 $0x780  }
0x4a: {  	s18 =	ssub.s32 $0x8, s18;
	p2 =	sgt.s32 s21, $0x0;
	s19 =	ssub.s32 s19, s20  }
0x4b: {  	s17 =	simm.s32 @p1 $0x0;
	s18 =	simm.s32 @p2 $0x0;
	s20 =	sadd.s32 $0xFFFFF880, s19  }
0x4c: {  	s17 =	smul.u32 s17, s18;
	p1 =	sgt.s32 s20, $0x7F;
	s18 =	ssub.s32 $0x800, s19  }
0x4d: {  	s18 =	simm.s32 @p1 $0x0  }
0x4e: {  	s17 =	smul.u32 s18, s17;
	_ =	sdelay $0x1  }
0x4f: {  	s18 =	simm.s32 $0x1;
	s17 =	sand.u32 $0x3FFFFFFF, s17  }
0x50: {  	s18 =	simm.s32 @!p0 $0x0;
	_ =	swait.ge [sflag:s5], s17  }
0x51: {  	s28 =	sshll.u32 s18, $0xE;
	s17 =	ssub.s32 $0x0, s17;
	[sflag:s5] =	ssyncset.done $0x0  }
0x52: {  	s29 =	sor.u32 $0x40, s28;
	[sflag:s5] =	ssyncadd.s32 s17  }
0x53: {  	s30 =	smul.u32 $0x10200, s18;
	v0 =	vld [tilespmem:s29+$0x30]  }
0x54: {  	v1 =	vld [tilespmem:s29+$0xFFFFFFD0]  }
0x55: {  	s17 =	sshrl.u32 s30, $0x2;
	v5 =	vld [tilespmem:s29+$0xFFFFFFE0]  }
0x56: {  	s18 =	sor.u32 $0x8000, s17;
	v6 =	vld [tilespmem:s29+$0xFFFFFFF0]  }
0x57: {  	s31 =	sand.u32 $0x1, s13;
	v4 =	vld [tilespmem:s29+$0x0];
	s19 =	sadd.s32 $0x0, s18  }
0x58: {  	s17 =	smul.u32 $0x10200, s31;
	v3 =	vld [tilespmem:s29+$0x10];
	[tilespmem:s19+$0x3870 ss:$0x81] =	vst.msk $0xffff, v0  }
0x59: {  	v2 =	vld [tilespmem:s29+$0x20];
	[tilespmem:s19+$0x810 ss:$0x81] =	vst.msk $0xffff, v1  }
0x5a: {  	s20 =	sadd.s32 $0x80, s29;
	s17 =	sshrl.u32 s17, $0x2;
	v0 =	vld [tilespmem:s29+$0xFFFFFFC0];
	[tilespmem:s19+$0x1020 ss:$0x81] =	vst.msk $0xffff, v5  }
0x5b: {  	s22 =	simm.s32 $0x8;
	s21 =	simm.s32 $0x4;
	s17 =	sor.u32 $0x8000, s17;
	v1 =	vld [tilespmem:s20+$0x30];
	[tilespmem:s19+$0x1830 ss:$0x81] =	vst.msk $0xffff, v6  }
.LBB1_3:
0x5c: {  	p1 =	sne.s32 s22, $0x1FC;
	v5 =	vld [tilespmem:s20+$0xFFFFFFD0];
	[tilespmem:s19+$0x2040 ss:$0x81] =	vst.msk $0xffff, v4  }
0x5d: {  	v6 =	vld [tilespmem:s20+$0xFFFFFFE0];
	[tilespmem:s19+$0x2850 ss:$0x81] =	vst.msk $0xffff, v3  }
0x5e: {  	s23 =	sshra.s32 s21, $0x2;
	s21 =	smov.u32 s22;
	v7 =	vld [tilespmem:s20+$0xFFFFFFF0];
	[tilespmem:s19+$0x3060 ss:$0x81] =	vst.msk $0xffff, v2  }
.Ltmp3:
0x5f: {  	v4 =	vld [tilespmem:s20+$0x0];
	[tilespmem:s19+$0x0 ss:$0x81] =	vst.msk $0xffff, v0;
	s19 =	sadd.s32 s23, s18;
	(pc) =	sbr.rel @p1 .LBB1_3-.Ltmp3, $4  }
0x60: {  	v3 =	vld [tilespmem:s20+$0x10];
	[tilespmem:s19+$0x3870 ss:$0x81] =	vst.msk $0xffff, v1  }
0x61: {  	[tilespmem:s19+$0x810 ss:$0x81] =	vst.msk $0xffff, v5;
	v2 =	vld [tilespmem:s20+$0x20]  }
0x62: {  	v0 =	vld [tilespmem:s20+$0xFFFFFFC0];
	[tilespmem:s19+$0x1020 ss:$0x81] =	vst.msk $0xffff, v6;
	s20 =	sadd.s32 $0x80, s20  }
0x63: {  	s22 =	sadd.s32 $0x4, s22;
	v1 =	vld [tilespmem:s20+$0x30];
	[tilespmem:s19+$0x1830 ss:$0x81] =	vst.msk $0xffff, v7  }
.Ltmp4:
0x64: {  	_ = 	snop;
	(pc) =	sbr.rel .LBB1_4-.Ltmp4, $1  }
0x65: {  	_ =	sdelay $0x3  }
.LBB1_6:
0x66: {  	_ =	sfence.sel $0x180000  }
0x67: {  	s2 =	simm.s32 $0x1;
	[bflag:$0x0] =	sbarrier.arrive $0xFFFF  }
0x68: {  	s31 =	simm.s32 $0x2;
	[sflag:s2] =	ssyncpa.u1 $0x1  }
0x69: {  	[sflag:s31] =	ssyncpa.u1 $0x1  }
0x6a: {  	p0 =	sne.s32 s0, $0x0;
	_ =	strace $0x90000047  }
0x6b: {  	s0 =	sadd.s32 @!p0 $0x100000, s1;
	[bflag:$0x2] =	sbarrier.arrive $0xFFFF  }
0x6c: {  	[sflag:s0] =	ssyncadd.tile.s32 @!p0 $0x1;
	_ =	shalt  }
.Lfunc_end1:
_tile_overlayer_lowered:
.L_overlay_start_2:
0x6d: {  	(tag) =	ssettag $0x2  }
0x6e: {  	s0 =	rddreg [dreg:$0x0];
	s2 =	stileid.u32  }
0x6f: {  	s1 =	rddreg [dreg:$0x1];
	p0 =	sne.s32 s2, $0x0  }
0x70: {  	s3 =	rddreg [dreg:$0x2];
	[bflag:$0x3] =	sbarrier.arrive $0xFFFF;
	s2 =	simm.s32 @!p0 $0x1C01  }
0x71: {  	[timem:s3], [sflag:s2] =	dma.local @!p0 [hbm:s0], s1  }
0x72: {  	s0 =	simm.s32 @!p0 $0x1  }
0x73: {  	_ =	swait.ge @!p0 [sflag:s0], s1  }
0x74: {  	s1 =	ssub.s32 @!p0 $0x0, s1;
	[sflag:s0] =	ssyncset.done @!p0 $0x0  }
0x75: {  	[sflag:s0] =	ssyncadd.s32 @!p0 s1  }
0x76: {  	[bflag:$0x3] =	sbarrier.arrive $0xFFFF  }
0x77: {  	_ =	shalt  }

</sc_bundles>
